<compile_context>
chip_gen: v7x
topology: tpu7x:2x2x1
jax: 0.10.2.dev20260603
libtpu: 0.0.44.dev20260713+nightly
codegen_flags: <defaults>
</compile_context>

<pallas_src>
import functools

import jax
import jax.numpy as jnp
from jax import lax
from jax.experimental import pallas as pl
from jax.experimental.pallas import tpu as pltpu
from jax.experimental.pallas import tpu_sc as plsc

DM = 768
NE = 8
NT = 2048
BT = 256
NB = NT // BT
NG = NB + NE - 1
CH = 256
NCH = NT // CH
NWK = 32
TPW = NT // NWK



def _gate_body(x_ref, wg_ref, w_ref, p_ref, cnt_ref):
    x = x_ref[...]
    gate = lax.dot_general(x, wg_ref[...], (((1,), (0,)), ((), ())),
                           preferred_element_type=jnp.float32)
    iota = lax.broadcasted_iota(jnp.int32, gate.shape, 1)
    v1 = jnp.max(gate, axis=1, keepdims=True)
    i1 = jnp.min(jnp.where(gate >= v1, iota, NE), axis=1, keepdims=True)
    g2 = jnp.where(iota == i1, -jnp.inf, gate)
    v2 = jnp.max(g2, axis=1, keepdims=True)
    i2 = jnp.min(jnp.where(g2 >= v2, iota, NE), axis=1, keepdims=True)
    p1v = 1.0 / (1.0 + jnp.exp(v2 - v1))
    estar = jnp.maximum(i1, i2)
    wstar = jnp.where(i1 >= i2, p1v, 1.0 - p1v)
    onehot = (iota == estar).astype(jnp.float32)

    tri = (lax.broadcasted_iota(jnp.int32, (CH, CH), 0)
           >= lax.broadcasted_iota(jnp.int32, (CH, CH), 1)).astype(jnp.float32)
    prefs = []
    run_tot = jnp.zeros((1, NE), jnp.float32)
    for k in range(NCH):
        blk = onehot[k * CH:(k + 1) * CH, :]
        incl = lax.dot_general(tri, blk, (((1,), (0,)), ((), ())),
                               preferred_element_type=jnp.float32)
        prefs.append(incl + run_tot)
        run_tot = run_tot + incl[CH - 1:CH, :]
    pref = jnp.concatenate(prefs, axis=0)

    stri = (lax.broadcasted_iota(jnp.int32, (NE, NE), 0)
            < lax.broadcasted_iota(jnp.int32, (NE, NE), 1)).astype(jnp.float32)
    starts = lax.dot_general(run_tot, stri, (((1,), (0,)), ((), ())),
                             precision=lax.Precision.HIGHEST,
                             preferred_element_type=jnp.float32)
    pos = jnp.sum(onehot * (pref + starts), axis=1, keepdims=True) - 1.0

    w_ref[...] = wstar
    p_ref[...] = (pos + 0.5).astype(jnp.int32)
    cnt_ref[...] = (run_tot + 0.5).astype(jnp.int32)


def _gating(x, Wg):
    return pl.pallas_call(
        _gate_body,
        in_specs=[
            pl.BlockSpec((NT, DM), lambda: (0, 0)),
            pl.BlockSpec((DM, NE), lambda: (0, 0)),
        ],
        out_specs=[
            pl.BlockSpec((NT, 1), lambda: (0, 0)),
            pl.BlockSpec((NT, 1), lambda: (0, 0)),
            pl.BlockSpec((1, NE), lambda: (0, 0)),
        ],
        out_shape=[
            jax.ShapeDtypeStruct((NT, 1), jnp.float32),
            jax.ShapeDtypeStruct((NT, 1), jnp.int32),
            jax.ShapeDtypeStruct((1, NE), jnp.int32),
        ],
    )(x, Wg)



def _work_list(counts):
    c = counts.reshape(NE)
    ends = jnp.cumsum(c)
    starts = ends - c
    bs = starts // BT
    be = jnp.where(c > 0, (ends + BT - 1) // BT, bs)
    n = be - bs
    icum = jnp.cumsum(n)
    ibefore = icum - n
    g = jnp.arange(NG)
    item_e = jnp.searchsorted(icum, g, side="right")
    e_c = jnp.minimum(item_e, NE - 1)
    item_b = jnp.where(item_e < NE, bs[e_c] + (g - ibefore[e_c]), NB - 1)
    lo = jnp.clip(starts[e_c] - item_b * BT, 0, BT)
    hi = jnp.clip(ends[e_c] - item_b * BT, 0, BT)
    hi = jnp.where(item_e < NE, hi, 0)
    return jnp.stack([item_b, e_c, lo, hi]).astype(jnp.int32)



def _sc_scatter(x, ws, pos):
    mesh = plsc.VectorSubcoreMesh(core_axis_name="c", subcore_axis_name="s")

    @functools.partial(
        pl.kernel, mesh=mesh,
        out_type=[
            jax.ShapeDtypeStruct((NT, DM), jnp.float32),
            jax.ShapeDtypeStruct((NT,), jnp.float32),
        ],
        scratch_types=[
            pltpu.VMEM((TPW,), jnp.int32),
            pltpu.VMEM((TPW, DM), jnp.float32),
            pltpu.VMEM((TPW,), jnp.float32),
            pltpu.SemaphoreType.DMA,
        ],
    )
    def body(x_hbm, ws_hbm, pos_hbm, xs_hbm, wss_hbm, idx_v, rows_v, w_v, sem):
        wid = lax.axis_index("s") * 2 + lax.axis_index("c")
        base = wid * TPW
        pltpu.sync_copy(pos_hbm.at[pl.ds(base, TPW)], idx_v)
        pltpu.sync_copy(x_hbm.at[pl.ds(base, TPW)], rows_v)
        pltpu.sync_copy(ws_hbm.at[pl.ds(base, TPW)], w_v)
        pltpu.async_copy(rows_v, xs_hbm.at[idx_v], sem).wait()
        pltpu.async_copy(w_v, wss_hbm.at[idx_v], sem).wait()

    return body(x, ws, pos)



def _group_body(meta_ref, xs_ref, w_ref, b_ref, ws_ref, o_ref):
    g = pl.program_id(0)
    blk = meta_ref[0, g]
    lo = meta_ref[2, g]
    hi = meta_ref[3, g]
    prev = meta_ref[0, jnp.maximum(g - 1, 0)]
    first = jnp.logical_or(g == 0, blk != prev)
    acc = lax.dot_general(xs_ref[...], w_ref[0], (((1,), (1,)), ((), ())),
                          preferred_element_type=jnp.float32)
    contrib = ws_ref[...] * (acc + b_ref[0])
    riota = lax.broadcasted_iota(jnp.int32, (BT, 1), 0)
    mask = jnp.logical_and(riota >= lo, riota < hi)
    contrib = jnp.where(mask, contrib, 0.0)

    @pl.when(first)
    def _():
        o_ref[...] = contrib

    @pl.when(jnp.logical_not(first))
    def _():
        o_ref[...] = o_ref[...] + contrib


def _grouped_matmul(meta, xs, W, b, wss):
    grid_spec = pltpu.PrefetchScalarGridSpec(
        num_scalar_prefetch=1,
        grid=(NG,),
        in_specs=[
            pl.BlockSpec((BT, DM), lambda g, m: (m[0, g], 0)),
            pl.BlockSpec((1, DM, DM), lambda g, m: (m[1, g], 0, 0)),
            pl.BlockSpec((1, 1, DM), lambda g, m: (m[1, g], 0, 0)),
            pl.BlockSpec((BT, 1), lambda g, m: (m[0, g], 0)),
        ],
        out_specs=pl.BlockSpec((BT, DM), lambda g, m: (m[0, g], 0)),
    )
    return pl.pallas_call(
        _group_body,
        grid_spec=grid_spec,
        out_shape=jax.ShapeDtypeStruct((NT, DM), jnp.float32),
    )(meta, xs, W, b, wss)



def _sc_gather(ys, pos):
    mesh = plsc.VectorSubcoreMesh(core_axis_name="c", subcore_axis_name="s")

    @functools.partial(
        pl.kernel, mesh=mesh,
        out_type=jax.ShapeDtypeStruct((NT, DM), jnp.float32),
        scratch_types=[
            pltpu.VMEM((TPW,), jnp.int32),
            pltpu.VMEM((TPW, DM), jnp.float32),
            pltpu.SemaphoreType.DMA,
        ],
    )
    def body(ys_hbm, pos_hbm, out_hbm, idx_v, rows_v, sem):
        wid = lax.axis_index("s") * 2 + lax.axis_index("c")
        base = wid * TPW
        pltpu.sync_copy(pos_hbm.at[pl.ds(base, TPW)], idx_v)
        pltpu.async_copy(ys_hbm.at[idx_v], rows_v, sem).wait()
        pltpu.sync_copy(rows_v, out_hbm.at[pl.ds(base, TPW)])

    return body(ys, pos)



def kernel(x, Wg, W, b):
    ws, pos, counts = _gating(x, Wg)
    meta = _work_list(counts)
    pos1 = pos.reshape(NT)
    xs, wss = _sc_scatter(x, ws.reshape(NT), pos1)
    ys = _grouped_matmul(meta, xs, W, b.reshape(NE, 1, DM), wss.reshape(NT, 1))
    return _sc_gather(ys, pos1)

# --- scband reference (transcript-rebuilt; emitter-appended) ---
"""Pipeline reference for scband-moe-layer-66769561584067 (READ-ONLY COPY).

The authoritative reference and input builder live on the scoring server;
editing this copy changes nothing except your own understanding.
"""

import jax, jax.numpy as jnp
import numpy as np

D_MODEL = 768
E = 8
K = 2
T = 2048


def setup_inputs(seed: int = 0) -> dict:
    key = jax.random.key(seed)
    ks = jax.random.split(key, 4)
    x = jax.random.normal(ks[0], (T, D_MODEL), dtype=jnp.float32)
    # gate: nn.Linear(768, 8, bias=False) -> Wg stored as [in, out] for x @ Wg
    Wg = jax.random.normal(ks[1], (D_MODEL, E), dtype=jnp.float32) * (1.0 / np.sqrt(D_MODEL))
    # experts: 8 x nn.Linear(768, 768); torch stores weight as [out, in]
    W = jax.random.normal(ks[2], (E, D_MODEL, D_MODEL), dtype=jnp.float32) * (1.0 / np.sqrt(D_MODEL))
    b = jax.random.normal(ks[3], (E, D_MODEL), dtype=jnp.float32) * 0.01
    return {"x": x, "Wg": Wg, "W": W, "b": b}


def reference(x, Wg, W, b):
    # gate = self.gate(x)
    gate = x @ Wg  # [T, E]
    # weights, selected_experts = torch.topk(gate, num_experts_per_token)
    weights, selected_experts = jax.lax.top_k(gate, K)  # [T, K]
    # weights = F.softmax(weights, dim=-1, dtype=torch.float).to(x.dtype)
    weights = jax.nn.softmax(weights.astype(jnp.float32), axis=-1).astype(x.dtype)
    # output = torch.zeros_like(x); loop over experts with overwrite semantics
    output = jnp.zeros_like(x)
    for i in range(E):
        mask = (selected_experts == i)  # [T, K]
        token_mask = jnp.any(mask, axis=-1)  # [T]
        # weights[batch_idx, nth_expert]: top_k indices are distinct per row,
        # so at most one slot matches -> masked sum extracts that weight
        w_i = jnp.sum(jnp.where(mask, weights, jnp.zeros_like(weights)), axis=-1)  # [T]
        expert_out = x @ W[i].T + b[i]  # [T, D]
        contrib = w_i[:, None] * expert_out
        # output[batch_idx] = ... is an OVERWRITE (not +=): later experts win
        output = jnp.where(token_mask[:, None], contrib, output)
    return output

if __name__ == "__main__":
    import jax
    _d = setup_inputs()
    print(jax.jit(kernel)(*tuple(_d.values())))

</pallas_src>

<mosaic_0001>
#map = affine_map<(d0, d1) -> (0, 0)>
#map1 = affine_map<(d0, d1) -> (0)>
module attributes {stable_mosaic.version = 14 : i64} {
  func.func @body(%arg0: i32, %arg1: i32, %arg2: memref<2048x768xf32, #tpu.memory_space<hbm>>, %arg3: memref<2048xi32, #tpu.memory_space<hbm>>, %arg4: memref<2048x768xf32, #tpu.memory_space<hbm>>, %arg5: memref<64xi32, #tpu.memory_space<vmem>>, %arg6: memref<64x768xf32, #tpu.memory_space<vmem>>, %arg7: memref<!tpu.dma_semaphore, #tpu.memory_space<semaphore_mem>>) attributes {dimension_semantics = [#tpu.dimension_semantics<core_parallel>, #tpu.dimension_semantics<subcore_parallel>], iteration_bounds = array<i64: 2, 16>, scalar_prefetch = 0 : i64, scratch_operands = 3 : i64, tpu.core_type = #tpu.core_type<sc_vector_subcore>, window_params = [{transform_indices = #map}, {transform_indices = #map1}, {transform_indices = #map}]} {
    %mul3A = arith.constant 2 : i32
    %mul3A_0 = arith.muli %arg1, %mul3A : i32
    %add3A = arith.addi %mul3A_0, %arg0 : i32
    %mul3A_1 = arith.constant 64 : i32
    %mul3A_2 = arith.muli %add3A, %mul3A_1 : i32
    "tpu.region"() ({
      %run_scoped3A = tpu.sem_alloc : memref<!tpu.dma_semaphore, #tpu.memory_space<semaphore_mem>>
      %dma_start3A_7 = tpu.memref_slice %arg3[%mul3A_2] : memref<2048xi32, #tpu.memory_space<hbm>> -> memref<64xi32, #tpu.memory_space<hbm>>
      %dma_start3A_8 = tpu.memref_slice %arg3[%mul3A_2] : memref<2048xi32, #tpu.memory_space<hbm>> -> memref<64xi32, #tpu.memory_space<hbm>>
      tpu.enqueue_dma source(%dma_start3A_8 : memref<64xi32, #tpu.memory_space<hbm>>) target(%arg5 : memref<64xi32, #tpu.memory_space<vmem>>) target_semaphore(%run_scoped3A : memref<!tpu.dma_semaphore, #tpu.memory_space<semaphore_mem>>)
      %dma_wait3A_9 = tpu.memref_slice %arg3[%mul3A_2] : memref<2048xi32, #tpu.memory_space<hbm>> -> memref<64xi32, #tpu.memory_space<hbm>>
      %dma_wait3A_10 = tpu.memref_slice %arg3[%mul3A_2] : memref<2048xi32, #tpu.memory_space<hbm>> -> memref<64xi32, #tpu.memory_space<hbm>>
      tpu.wait_dma2 semaphore(%run_scoped3A : memref<!tpu.dma_semaphore, #tpu.memory_space<semaphore_mem>>) src(%dma_wait3A_10 : memref<64xi32, #tpu.memory_space<hbm>>) dst(%arg5 : memref<64xi32, #tpu.memory_space<vmem>>)
      tpu.yield
    }) : () -> ()
    %dma_start3A = arith.constant 0 : i32
    %dma_start3A_3 = arith.constant 0 : i32
    %dma_start3A_4 = tpu.memref_slice %arg2[%dma_start3A, %dma_start3A_3] : memref<2048x768xf32, #tpu.memory_space<hbm>> -> memref<2048x768xf32, #tpu.memory_space<hbm>>
    tpu.enqueue_indirect_dma source(%dma_start3A_4 : memref<2048x768xf32, #tpu.memory_space<hbm>>) target(%arg6 : memref<64x768xf32, #tpu.memory_space<vmem>>) offsets(%arg5 : memref<64xi32, #tpu.memory_space<vmem>>) semaphore(%arg7 : memref<!tpu.dma_semaphore, #tpu.memory_space<semaphore_mem>>)
    %dma_wait3A = arith.constant 0 : i32
    %dma_wait3A_5 = arith.constant 0 : i32
    %dma_wait3A_6 = tpu.memref_slice %arg2[%dma_wait3A, %dma_wait3A_5] : memref<2048x768xf32, #tpu.memory_space<hbm>> -> memref<2048x768xf32, #tpu.memory_space<hbm>>
    tpu.wait_indirect_dma semaphore(%arg7 : memref<!tpu.dma_semaphore, #tpu.memory_space<semaphore_mem>>) src(%dma_wait3A_6 : memref<2048x768xf32, #tpu.memory_space<hbm>>) dst(%arg6 : memref<64x768xf32, #tpu.memory_space<vmem>>)
    "tpu.region"() ({
      %run_scoped3A = tpu.sem_alloc : memref<!tpu.dma_semaphore, #tpu.memory_space<semaphore_mem>>
      %dma_start3A_7 = arith.constant 0 : i32
      %dma_start3A_8 = tpu.memref_slice %arg4[%mul3A_2, %dma_start3A_7] : memref<2048x768xf32, #tpu.memory_space<hbm>> -> memref<64x768xf32, #tpu.memory_space<hbm>>
      %dma_start3A_9 = arith.constant 0 : i32
      %dma_start3A_10 = tpu.memref_slice %arg4[%mul3A_2, %dma_start3A_9] : memref<2048x768xf32, #tpu.memory_space<hbm>> -> memref<64x768xf32, #tpu.memory_space<hbm>>
      tpu.enqueue_dma source(%arg6 : memref<64x768xf32, #tpu.memory_space<vmem>>) target(%dma_start3A_10 : memref<64x768xf32, #tpu.memory_space<hbm>>) target_semaphore(%run_scoped3A : memref<!tpu.dma_semaphore, #tpu.memory_space<semaphore_mem>>)
      %dma_wait3A_11 = arith.constant 0 : i32
      %dma_wait3A_12 = tpu.memref_slice %arg4[%mul3A_2, %dma_wait3A_11] : memref<2048x768xf32, #tpu.memory_space<hbm>> -> memref<64x768xf32, #tpu.memory_space<hbm>>
      %dma_wait3A_13 = arith.constant 0 : i32
      %dma_wait3A_14 = tpu.memref_slice %arg4[%mul3A_2, %dma_wait3A_13] : memref<2048x768xf32, #tpu.memory_space<hbm>> -> memref<64x768xf32, #tpu.memory_space<hbm>>
      tpu.wait_dma2 semaphore(%run_scoped3A : memref<!tpu.dma_semaphore, #tpu.memory_space<semaphore_mem>>) src(%arg6 : memref<64x768xf32, #tpu.memory_space<vmem>>) dst(%dma_wait3A_14 : memref<64x768xf32, #tpu.memory_space<hbm>>)
      tpu.yield
    }) : () -> ()
    return
  }
}

#map = affine_map<(d0, d1) -> (0, 0)>
#map1 = affine_map<(d0, d1) -> (0)>
module attributes {stable_mosaic.version = 14 : i64} {
  func.func @body(%arg0: i32, %arg1: i32, %arg2: memref<2048x768xf32, #tpu.memory_space<hbm>>, %arg3: memref<2048xf32, #tpu.memory_space<hbm>>, %arg4: memref<2048xi32, #tpu.memory_space<hbm>>, %arg5: memref<2048x768xf32, #tpu.memory_space<hbm>>, %arg6: memref<2048xf32, #tpu.memory_space<hbm>>, %arg7: memref<64xi32, #tpu.memory_space<vmem>>, %arg8: memref<64x768xf32, #tpu.memory_space<vmem>>, %arg9: memref<64xf32, #tpu.memory_space<vmem>>, %arg10: memref<!tpu.dma_semaphore, #tpu.memory_space<semaphore_mem>>) attributes {dimension_semantics = [#tpu.dimension_semantics<core_parallel>, #tpu.dimension_semantics<subcore_parallel>], iteration_bounds = array<i64: 2, 16>, scalar_prefetch = 0 : i64, scratch_operands = 4 : i64, tpu.core_type = #tpu.core_type<sc_vector_subcore>, window_params = [{transform_indices = #map}, {transform_indices = #map1}, {transform_indices = #map1}, {transform_indices = #map}, {transform_indices = #map1}]} {
    %mul3A = arith.constant 2 : i32
    %mul3A_0 = arith.muli %arg1, %mul3A : i32
    %add3A = arith.addi %mul3A_0, %arg0 : i32
    %mul3A_1 = arith.constant 64 : i32
    %mul3A_2 = arith.muli %add3A, %mul3A_1 : i32
    "tpu.region"() ({
      %run_scoped3A = tpu.sem_alloc : memref<!tpu.dma_semaphore, #tpu.memory_space<semaphore_mem>>
      %dma_start3A_11 = tpu.memref_slice %arg4[%mul3A_2] : memref<2048xi32, #tpu.memory_space<hbm>> -> memref<64xi32, #tpu.memory_space<hbm>>
      %dma_start3A_12 = tpu.memref_slice %arg4[%mul3A_2] : memref<2048xi32, #tpu.memory_space<hbm>> -> memref<64xi32, #tpu.memory_space<hbm>>
      tpu.enqueue_dma source(%dma_start3A_12 : memref<64xi32, #tpu.memory_space<hbm>>) target(%arg7 : memref<64xi32, #tpu.memory_space<vmem>>) target_semaphore(%run_scoped3A : memref<!tpu.dma_semaphore, #tpu.memory_space<semaphore_mem>>)
      %dma_wait3A_13 = tpu.memref_slice %arg4[%mul3A_2] : memref<2048xi32, #tpu.memory_space<hbm>> -> memref<64xi32, #tpu.memory_space<hbm>>
      %dma_wait3A_14 = tpu.memref_slice %arg4[%mul3A_2] : memref<2048xi32, #tpu.memory_space<hbm>> -> memref<64xi32, #tpu.memory_space<hbm>>
      tpu.wait_dma2 semaphore(%run_scoped3A : memref<!tpu.dma_semaphore, #tpu.memory_space<semaphore_mem>>) src(%dma_wait3A_14 : memref<64xi32, #tpu.memory_space<hbm>>) dst(%arg7 : memref<64xi32, #tpu.memory_space<vmem>>)
      tpu.yield
    }) : () -> ()
    "tpu.region"() ({
      %run_scoped3A = tpu.sem_alloc : memref<!tpu.dma_semaphore, #tpu.memory_space<semaphore_mem>>
      %dma_start3A_11 = arith.constant 0 : i32
      %dma_start3A_12 = tpu.memref_slice %arg2[%mul3A_2, %dma_start3A_11] : memref<2048x768xf32, #tpu.memory_space<hbm>> -> memref<64x768xf32, #tpu.memory_space<hbm>>
      %dma_start3A_13 = arith.constant 0 : i32
      %dma_start3A_14 = tpu.memref_slice %arg2[%mul3A_2, %dma_start3A_13] : memref<2048x768xf32, #tpu.memory_space<hbm>> -> memref<64x768xf32, #tpu.memory_space<hbm>>
      tpu.enqueue_dma source(%dma_start3A_14 : memref<64x768xf32, #tpu.memory_space<hbm>>) target(%arg8 : memref<64x768xf32, #tpu.memory_space<vmem>>) target_semaphore(%run_scoped3A : memref<!tpu.dma_semaphore, #tpu.memory_space<semaphore_mem>>)
      %dma_wait3A_15 = arith.constant 0 : i32
      %dma_wait3A_16 = tpu.memref_slice %arg2[%mul3A_2, %dma_wait3A_15] : memref<2048x768xf32, #tpu.memory_space<hbm>> -> memref<64x768xf32, #tpu.memory_space<hbm>>
      %dma_wait3A_17 = arith.constant 0 : i32
      %dma_wait3A_18 = tpu.memref_slice %arg2[%mul3A_2, %dma_wait3A_17] : memref<2048x768xf32, #tpu.memory_space<hbm>> -> memref<64x768xf32, #tpu.memory_space<hbm>>
      tpu.wait_dma2 semaphore(%run_scoped3A : memref<!tpu.dma_semaphore, #tpu.memory_space<semaphore_mem>>) src(%dma_wait3A_18 : memref<64x768xf32, #tpu.memory_space<hbm>>) dst(%arg8 : memref<64x768xf32, #tpu.memory_space<vmem>>)
      tpu.yield
    }) : () -> ()
    "tpu.region"() ({
      %run_scoped3A = tpu.sem_alloc : memref<!tpu.dma_semaphore, #tpu.memory_space<semaphore_mem>>
      %dma_start3A_11 = tpu.memref_slice %arg3[%mul3A_2] : memref<2048xf32, #tpu.memory_space<hbm>> -> memref<64xf32, #tpu.memory_space<hbm>>
      %dma_start3A_12 = tpu.memref_slice %arg3[%mul3A_2] : memref<2048xf32, #tpu.memory_space<hbm>> -> memref<64xf32, #tpu.memory_space<hbm>>
      tpu.enqueue_dma source(%dma_start3A_12 : memref<64xf32, #tpu.memory_space<hbm>>) target(%arg9 : memref<64xf32, #tpu.memory_space<vmem>>) target_semaphore(%run_scoped3A : memref<!tpu.dma_semaphore, #tpu.memory_space<semaphore_mem>>)
      %dma_wait3A_13 = tpu.memref_slice %arg3[%mul3A_2] : memref<2048xf32, #tpu.memory_space<hbm>> -> memref<64xf32, #tpu.memory_space<hbm>>
      %dma_wait3A_14 = tpu.memref_slice %arg3[%mul3A_2] : memref<2048xf32, #tpu.memory_space<hbm>> -> memref<64xf32, #tpu.memory_space<hbm>>
      tpu.wait_dma2 semaphore(%run_scoped3A : memref<!tpu.dma_semaphore, #tpu.memory_space<semaphore_mem>>) src(%dma_wait3A_14 : memref<64xf32, #tpu.memory_space<hbm>>) dst(%arg9 : memref<64xf32, #tpu.memory_space<vmem>>)
      tpu.yield
    }) : () -> ()
    %dma_start3A = arith.constant 0 : i32
    %dma_start3A_3 = arith.constant 0 : i32
    %dma_start3A_4 = tpu.memref_slice %arg5[%dma_start3A, %dma_start3A_3] : memref<2048x768xf32, #tpu.memory_space<hbm>> -> memref<2048x768xf32, #tpu.memory_space<hbm>>
    tpu.enqueue_indirect_dma source(%arg8 : memref<64x768xf32, #tpu.memory_space<vmem>>) target(%dma_start3A_4 : memref<2048x768xf32, #tpu.memory_space<hbm>>) offsets(%arg7 : memref<64xi32, #tpu.memory_space<vmem>>) semaphore(%arg10 : memref<!tpu.dma_semaphore, #tpu.memory_space<semaphore_mem>>)
    %dma_wait3A = arith.constant 0 : i32
    %dma_wait3A_5 = arith.constant 0 : i32
    %dma_wait3A_6 = tpu.memref_slice %arg5[%dma_wait3A, %dma_wait3A_5] : memref<2048x768xf32, #tpu.memory_space<hbm>> -> memref<2048x768xf32, #tpu.memory_space<hbm>>
    tpu.wait_indirect_dma semaphore(%arg10 : memref<!tpu.dma_semaphore, #tpu.memory_space<semaphore_mem>>) src(%arg8 : memref<64x768xf32, #tpu.memory_space<vmem>>) dst(%dma_wait3A_6 : memref<2048x768xf32, #tpu.memory_space<hbm>>)
    %dma_start3A_7 = arith.constant 0 : i32
    %dma_start3A_8 = tpu.memref_slice %arg6[%dma_start3A_7] : memref<2048xf32, #tpu.memory_space<hbm>> -> memref<2048xf32, #tpu.memory_space<hbm>>
    tpu.enqueue_indirect_dma source(%arg9 : memref<64xf32, #tpu.memory_space<vmem>>) target(%dma_start3A_8 : memref<2048xf32, #tpu.memory_space<hbm>>) offsets(%arg7 : memref<64xi32, #tpu.memory_space<vmem>>) semaphore(%arg10 : memref<!tpu.dma_semaphore, #tpu.memory_space<semaphore_mem>>)
    %dma_wait3A_9 = arith.constant 0 : i32
    %dma_wait3A_10 = tpu.memref_slice %arg6[%dma_wait3A_9] : memref<2048xf32, #tpu.memory_space<hbm>> -> memref<2048xf32, #tpu.memory_space<hbm>>
    tpu.wait_indirect_dma semaphore(%arg10 : memref<!tpu.dma_semaphore, #tpu.memory_space<semaphore_mem>>) src(%arg9 : memref<64xf32, #tpu.memory_space<vmem>>) dst(%dma_wait3A_10 : memref<2048xf32, #tpu.memory_space<hbm>>)
    return
  }
}

module attributes {stable_mosaic.version = 14 : i64} {
  func.func @_gate_body(%arg0: memref<2048x768xf32, #tpu.memory_space<vmem>>, %arg1: memref<768x8xf32, #tpu.memory_space<vmem>>, %arg2: memref<2048x1xf32, #tpu.memory_space<vmem>>, %arg3: memref<2048x1xi32, #tpu.memory_space<vmem>>, %arg4: memref<1x8xi32, #tpu.memory_space<vmem>>) attributes {dimension_semantics = [], scalar_prefetch = 0 : i64, scratch_operands = 0 : i64, tpu.core_type = #tpu.core_type<tc>} {
    %get3A = arith.constant 0 : index
    %get3A_0 = arith.constant 0 : index
    %get3A_1 = vector.load %arg0[%get3A, %get3A_0] : memref<2048x768xf32, #tpu.memory_space<vmem>>, vector<2048x768xf32>
    %get3A_2 = arith.constant 0 : index
    %get3A_3 = arith.constant 0 : index
    %get3A_4 = vector.load %arg1[%get3A_2, %get3A_3] : memref<768x8xf32, #tpu.memory_space<vmem>>, vector<768x8xf32>
    %dot_general3A = arith.constant dense<0.000000e+00> : vector<2048x8xf32>
    %dot_general3A_5 = tpu.matmul %get3A_1, %get3A_4, %dot_general3A {dimension_numbers = #tpu.dot_dimension_numbers<[1], [0], [0], [1], [0, 0, 1, 1], [], []>, transpose_lhs_hint = false} : vector<2048x768xf32>, vector<768x8xf32>, vector<2048x8xf32> -> vector<2048x8xf32>
    %iota3A = tpu.iota {dimensions = array<i32: 1>} : vector<2048x8xi32>
    %reduce_max3A = arith.constant dense<0xFF800000> : vector<2048xf32>
    %reduce_max3A_6 = vector.multi_reduction <maximumf>, %dot_general3A_5, %reduce_max3A [1] : vector<2048x8xf32> to vector<2048xf32>
    %broadcast_in_dim3A = vector.shape_cast %reduce_max3A_6 : vector<2048xf32> to vector<2048x1xf32>
    %ge3A = vector.broadcast %broadcast_in_dim3A : vector<2048x1xf32> to vector<2048x8xf32>
    %ge3A_7 = arith.cmpf oge, %dot_general3A_5, %ge3A : vector<2048x8xf32>
    %jit3A = arith.constant 8 : i32
    %broadcast_in_dim3A_8 = vector.broadcast %jit3A : i32 to vector<2048x8xi32>
    %select_n3A = arith.select %ge3A_7, %iota3A, %broadcast_in_dim3A_8 : vector<2048x8xi1>, vector<2048x8xi32>
    %reduce_min3A = arith.constant dense<2147483647> : vector<2048xi32>
    %reduce_min3A_9 = vector.multi_reduction <minsi>, %select_n3A, %reduce_min3A [1] : vector<2048x8xi32> to vector<2048xi32>
    %broadcast_in_dim3A_10 = vector.shape_cast %reduce_min3A_9 : vector<2048xi32> to vector<2048x1xi32>
    %eq3A = vector.broadcast %broadcast_in_dim3A_10 : vector<2048x1xi32> to vector<2048x8xi32>
    %eq3A_11 = arith.cmpi eq, %iota3A, %eq3A : vector<2048x8xi32>
    %jit3A_12 = arith.constant 0xFF800000 : f32
    %broadcast_in_dim3A_13 = vector.broadcast %jit3A_12 : f32 to vector<2048x8xf32>
    %select_n3A_14 = arith.select %eq3A_11, %broadcast_in_dim3A_13, %dot_general3A_5 : vector<2048x8xi1>, vector<2048x8xf32>
    %reduce_max3A_15 = arith.constant dense<0xFF800000> : vector<2048xf32>
    %reduce_max3A_16 = vector.multi_reduction <maximumf>, %select_n3A_14, %reduce_max3A_15 [1] : vector<2048x8xf32> to vector<2048xf32>
    %broadcast_in_dim3A_17 = vector.shape_cast %reduce_max3A_16 : vector<2048xf32> to vector<2048x1xf32>
    %ge3A_18 = vector.broadcast %broadcast_in_dim3A_17 : vector<2048x1xf32> to vector<2048x8xf32>
    %ge3A_19 = arith.cmpf oge, %select_n3A_14, %ge3A_18 : vector<2048x8xf32>
    %jit3A_20 = arith.constant 8 : i32
    %broadcast_in_dim3A_21 = vector.broadcast %jit3A_20 : i32 to vector<2048x8xi32>
    %select_n3A_22 = arith.select %ge3A_19, %iota3A, %broadcast_in_dim3A_21 : vector<2048x8xi1>, vector<2048x8xi32>
    %reduce_min3A_23 = arith.constant dense<2147483647> : vector<2048xi32>
    %reduce_min3A_24 = vector.multi_reduction <minsi>, %select_n3A_22, %reduce_min3A_23 [1] : vector<2048x8xi32> to vector<2048xi32>
    %broadcast_in_dim3A_25 = vector.shape_cast %reduce_min3A_24 : vector<2048xi32> to vector<2048x1xi32>
    %sub3A = arith.subf %broadcast_in_dim3A_17, %broadcast_in_dim3A : vector<2048x1xf32>
    %exp3A = math.exp %sub3A : vector<2048x1xf32>
    %add3A = arith.constant 1.000000e+00 : f32
    %add3A_26 = vector.broadcast %add3A : f32 to vector<2048x1xf32>
    %add3A_27 = arith.addf %add3A_26, %exp3A : vector<2048x1xf32>
    %div3A = arith.constant 1.000000e+00 : f32
    %div3A_28 = vector.broadcast %div3A : f32 to vector<2048x1xf32>
    %div3A_29 = arith.divf %div3A_28, %add3A_27 : vector<2048x1xf32>
    %max3A = arith.maxsi %broadcast_in_dim3A_10, %broadcast_in_dim3A_25 : vector<2048x1xi32>
    %ge3A_30 = arith.cmpi sge, %broadcast_in_dim3A_10, %broadcast_in_dim3A_25 : vector<2048x1xi32>
    %sub3A_31 = arith.constant 1.000000e+00 : f32
    %sub3A_32 = vector.broadcast %sub3A_31 : f32 to vector<2048x1xf32>
    %sub3A_33 = arith.subf %sub3A_32, %div3A_29 : vector<2048x1xf32>
    %select_n3A_34 = arith.select %ge3A_30, %div3A_29, %sub3A_33 : vector<2048x1xi1>, vector<2048x1xf32>
    %eq3A_35 = vector.broadcast %max3A : vector<2048x1xi32> to vector<2048x8xi32>
    %eq3A_36 = arith.cmpi eq, %iota3A, %eq3A_35 : vector<2048x8xi32>
    %convert_element_type3A = arith.extui %eq3A_36 : vector<2048x8xi1> to vector<2048x8xi32>
    %convert_element_type3A_37 = arith.sitofp %convert_element_type3A : vector<2048x8xi32> to vector<2048x8xf32>
    %iota3A_38 = tpu.iota {dimensions = array<i32: 0>} : vector<256x256xi32>
    %iota3A_39 = tpu.iota {dimensions = array<i32: 1>} : vector<256x256xi32>
    %ge3A_40 = arith.cmpi sge, %iota3A_38, %iota3A_39 : vector<256x256xi32>
    %convert_element_type3A_41 = arith.extui %ge3A_40 : vector<256x256xi1> to vector<256x256xi32>
    %convert_element_type3A_42 = arith.sitofp %convert_element_type3A_41 : vector<256x256xi32> to vector<256x256xf32>
    %broadcast_in_dim3A_43 = arith.constant 0.000000e+00 : f32
    %broadcast_in_dim3A_44 = vector.broadcast %broadcast_in_dim3A_43 : f32 to vector<1x8xf32>
    %slice3A = vector.extract_strided_slice %convert_element_type3A_37 {offsets = [0, 0], sizes = [256, 8], strides = [1, 1]} : vector<2048x8xf32> to vector<256x8xf32>
    %dot_general3A_45 = arith.constant dense<0.000000e+00> : vector<256x8xf32>
    %dot_general3A_46 = tpu.matmul %convert_element_type3A_42, %slice3A, %dot_general3A_45 {dimension_numbers = #tpu.dot_dimension_numbers<[1], [0], [0], [1], [0, 0, 1, 1], [], []>, transpose_lhs_hint = false} : vector<256x256xf32>, vector<256x8xf32>, vector<256x8xf32> -> vector<256x8xf32>
    %add3A_47 = vector.broadcast %broadcast_in_dim3A_44 : vector<1x8xf32> to vector<256x8xf32>
    %add3A_48 = arith.addf %dot_general3A_46, %add3A_47 : vector<256x8xf32>
    %slice3A_49 = vector.extract_strided_slice %dot_general3A_46 {offsets = [255, 0], sizes = [1, 8], strides = [1, 1]} : vector<256x8xf32> to vector<1x8xf32>
    %add3A_50 = arith.addf %broadcast_in_dim3A_44, %slice3A_49 : vector<1x8xf32>
    %slice3A_51 = vector.extract_strided_slice %convert_element_type3A_37 {offsets = [256, 0], sizes = [256, 8], strides = [1, 1]} : vector<2048x8xf32> to vector<256x8xf32>
    %dot_general3A_52 = arith.constant dense<0.000000e+00> : vector<256x8xf32>
    %dot_general3A_53 = tpu.matmul %convert_element_type3A_42, %slice3A_51, %dot_general3A_52 {dimension_numbers = #tpu.dot_dimension_numbers<[1], [0], [0], [1], [0, 0, 1, 1], [], []>, transpose_lhs_hint = false} : vector<256x256xf32>, vector<256x8xf32>, vector<256x8xf32> -> vector<256x8xf32>
    %add3A_54 = vector.broadcast %add3A_50 : vector<1x8xf32> to vector<256x8xf32>
    %add3A_55 = arith.addf %dot_general3A_53, %add3A_54 : vector<256x8xf32>
    %slice3A_56 = vector.extract_strided_slice %dot_general3A_53 {offsets = [255, 0], sizes = [1, 8], strides = [1, 1]} : vector<256x8xf32> to vector<1x8xf32>
    %add3A_57 = arith.addf %add3A_50, %slice3A_56 : vector<1x8xf32>
    %slice3A_58 = vector.extract_strided_slice %convert_element_type3A_37 {offsets = [512, 0], sizes = [256, 8], strides = [1, 1]} : vector<2048x8xf32> to vector<256x8xf32>
    %dot_general3A_59 = arith.constant dense<0.000000e+00> : vector<256x8xf32>
    %dot_general3A_60 = tpu.matmul %convert_element_type3A_42, %slice3A_58, %dot_general3A_59 {dimension_numbers = #tpu.dot_dimension_numbers<[1], [0], [0], [1], [0, 0, 1, 1], [], []>, transpose_lhs_hint = false} : vector<256x256xf32>, vector<256x8xf32>, vector<256x8xf32> -> vector<256x8xf32>
    %add3A_61 = vector.broadcast %add3A_57 : vector<1x8xf32> to vector<256x8xf32>
    %add3A_62 = arith.addf %dot_general3A_60, %add3A_61 : vector<256x8xf32>
    %slice3A_63 = vector.extract_strided_slice %dot_general3A_60 {offsets = [255, 0], sizes = [1, 8], strides = [1, 1]} : vector<256x8xf32> to vector<1x8xf32>
    %add3A_64 = arith.addf %add3A_57, %slice3A_63 : vector<1x8xf32>
    %slice3A_65 = vector.extract_strided_slice %convert_element_type3A_37 {offsets = [768, 0], sizes = [256, 8], strides = [1, 1]} : vector<2048x8xf32> to vector<256x8xf32>
    %dot_general3A_66 = arith.constant dense<0.000000e+00> : vector<256x8xf32>
    %dot_general3A_67 = tpu.matmul %convert_element_type3A_42, %slice3A_65, %dot_general3A_66 {dimension_numbers = #tpu.dot_dimension_numbers<[1], [0], [0], [1], [0, 0, 1, 1], [], []>, transpose_lhs_hint = false} : vector<256x256xf32>, vector<256x8xf32>, vector<256x8xf32> -> vector<256x8xf32>
    %add3A_68 = vector.broadcast %add3A_64 : vector<1x8xf32> to vector<256x8xf32>
    %add3A_69 = arith.addf %dot_general3A_67, %add3A_68 : vector<256x8xf32>
    %slice3A_70 = vector.extract_strided_slice %dot_general3A_67 {offsets = [255, 0], sizes = [1, 8], strides = [1, 1]} : vector<256x8xf32> to vector<1x8xf32>
    %add3A_71 = arith.addf %add3A_64, %slice3A_70 : vector<1x8xf32>
    %slice3A_72 = vector.extract_strided_slice %convert_element_type3A_37 {offsets = [1024, 0], sizes = [256, 8], strides = [1, 1]} : vector<2048x8xf32> to vector<256x8xf32>
    %dot_general3A_73 = arith.constant dense<0.000000e+00> : vector<256x8xf32>
    %dot_general3A_74 = tpu.matmul %convert_element_type3A_42, %slice3A_72, %dot_general3A_73 {dimension_numbers = #tpu.dot_dimension_numbers<[1], [0], [0], [1], [0, 0, 1, 1], [], []>, transpose_lhs_hint = false} : vector<256x256xf32>, vector<256x8xf32>, vector<256x8xf32> -> vector<256x8xf32>
    %add3A_75 = vector.broadcast %add3A_71 : vector<1x8xf32> to vector<256x8xf32>
    %add3A_76 = arith.addf %dot_general3A_74, %add3A_75 : vector<256x8xf32>
    %slice3A_77 = vector.extract_strided_slice %dot_general3A_74 {offsets = [255, 0], sizes = [1, 8], strides = [1, 1]} : vector<256x8xf32> to vector<1x8xf32>
    %add3A_78 = arith.addf %add3A_71, %slice3A_77 : vector<1x8xf32>
    %slice3A_79 = vector.extract_strided_slice %convert_element_type3A_37 {offsets = [1280, 0], sizes = [256, 8], strides = [1, 1]} : vector<2048x8xf32> to vector<256x8xf32>
    %dot_general3A_80 = arith.constant dense<0.000000e+00> : vector<256x8xf32>
    %dot_general3A_81 = tpu.matmul %convert_element_type3A_42, %slice3A_79, %dot_general3A_80 {dimension_numbers = #tpu.dot_dimension_numbers<[1], [0], [0], [1], [0, 0, 1, 1], [], []>, transpose_lhs_hint = false} : vector<256x256xf32>, vector<256x8xf32>, vector<256x8xf32> -> vector<256x8xf32>
    %add3A_82 = vector.broadcast %add3A_78 : vector<1x8xf32> to vector<256x8xf32>
    %add3A_83 = arith.addf %dot_general3A_81, %add3A_82 : vector<256x8xf32>
    %slice3A_84 = vector.extract_strided_slice %dot_general3A_81 {offsets = [255, 0], sizes = [1, 8], strides = [1, 1]} : vector<256x8xf32> to vector<1x8xf32>
    %add3A_85 = arith.addf %add3A_78, %slice3A_84 : vector<1x8xf32>
    %slice3A_86 = vector.extract_strided_slice %convert_element_type3A_37 {offsets = [1536, 0], sizes = [256, 8], strides = [1, 1]} : vector<2048x8xf32> to vector<256x8xf32>
    %dot_general3A_87 = arith.constant dense<0.000000e+00> : vector<256x8xf32>
    %dot_general3A_88 = tpu.matmul %convert_element_type3A_42, %slice3A_86, %dot_general3A_87 {dimension_numbers = #tpu.dot_dimension_numbers<[1], [0], [0], [1], [0, 0, 1, 1], [], []>, transpose_lhs_hint = false} : vector<256x256xf32>, vector<256x8xf32>, vector<256x8xf32> -> vector<256x8xf32>
    %add3A_89 = vector.broadcast %add3A_85 : vector<1x8xf32> to vector<256x8xf32>
    %add3A_90 = arith.addf %dot_general3A_88, %add3A_89 : vector<256x8xf32>
    %slice3A_91 = vector.extract_strided_slice %dot_general3A_88 {offsets = [255, 0], sizes = [1, 8], strides = [1, 1]} : vector<256x8xf32> to vector<1x8xf32>
    %add3A_92 = arith.addf %add3A_85, %slice3A_91 : vector<1x8xf32>
    %slice3A_93 = vector.extract_strided_slice %convert_element_type3A_37 {offsets = [1792, 0], sizes = [256, 8], strides = [1, 1]} : vector<2048x8xf32> to vector<256x8xf32>
    %dot_general3A_94 = arith.constant dense<0.000000e+00> : vector<256x8xf32>
    %dot_general3A_95 = tpu.matmul %convert_element_type3A_42, %slice3A_93, %dot_general3A_94 {dimension_numbers = #tpu.dot_dimension_numbers<[1], [0], [0], [1], [0, 0, 1, 1], [], []>, transpose_lhs_hint = false} : vector<256x256xf32>, vector<256x8xf32>, vector<256x8xf32> -> vector<256x8xf32>
    %add3A_96 = vector.broadcast %add3A_92 : vector<1x8xf32> to vector<256x8xf32>
    %add3A_97 = arith.addf %dot_general3A_95, %add3A_96 : vector<256x8xf32>
    %slice3A_98 = vector.extract_strided_slice %dot_general3A_95 {offsets = [255, 0], sizes = [1, 8], strides = [1, 1]} : vector<256x8xf32> to vector<1x8xf32>
    %add3A_99 = arith.addf %add3A_92, %slice3A_98 : vector<1x8xf32>
    %concatenate3A = tpu.concatenate %add3A_48, %add3A_55, %add3A_62, %add3A_69, %add3A_76, %add3A_83, %add3A_90, %add3A_97 in 0 : vector<256x8xf32>, vector<256x8xf32>, vector<256x8xf32>, vector<256x8xf32>, vector<256x8xf32>, vector<256x8xf32>, vector<256x8xf32>, vector<256x8xf32> -> vector<2048x8xf32>
    %iota3A_100 = tpu.iota {dimensions = array<i32: 0>} : vector<8x8xi32>
    %iota3A_101 = tpu.iota {dimensions = array<i32: 1>} : vector<8x8xi32>
    %lt3A = arith.cmpi slt, %iota3A_100, %iota3A_101 : vector<8x8xi32>
    %convert_element_type3A_102 = arith.extui %lt3A : vector<8x8xi1> to vector<8x8xi32>
    %convert_element_type3A_103 = arith.sitofp %convert_element_type3A_102 : vector<8x8xi32> to vector<8x8xf32>
    %dot_general3A_104 = arith.constant dense<0.000000e+00> : vector<1x8xf32>
    %dot_general3A_105 = tpu.matmul %add3A_99, %convert_element_type3A_103, %dot_general3A_104 {dimension_numbers = #tpu.dot_dimension_numbers<[1], [0], [0], [1], [0, 0, 1, 1], [], []>, precision = #tpu.contract_precision<fp32>, transpose_lhs_hint = false} : vector<1x8xf32>, vector<8x8xf32>, vector<1x8xf32> -> vector<1x8xf32>
    %add3A_106 = vector.broadcast %dot_general3A_105 : vector<1x8xf32> to vector<2048x8xf32>
    %add3A_107 = arith.addf %concatenate3A, %add3A_106 : vector<2048x8xf32>
    %mul3A = arith.mulf %convert_element_type3A_37, %add3A_107 : vector<2048x8xf32>
    %reduce_sum3A = arith.constant dense<0.000000e+00> : vector<2048xf32>
    %reduce_sum3A_108 = vector.multi_reduction <add>, %mul3A, %reduce_sum3A [1] : vector<2048x8xf32> to vector<2048xf32>
    %broadcast_in_dim3A_109 = vector.shape_cast %reduce_sum3A_108 : vector<2048xf32> to vector<2048x1xf32>
    %sub3A_110 = arith.constant 1.000000e+00 : f32
    %sub3A_111 = vector.broadcast %sub3A_110 : f32 to vector<2048x1xf32>
    %sub3A_112 = arith.subf %broadcast_in_dim3A_109, %sub3A_111 : vector<2048x1xf32>
    %swap3A = arith.constant 0 : index
    %swap3A_113 = arith.constant 0 : index
    %swap3A_114 = vector.load %arg2[%swap3A, %swap3A_113] : memref<2048x1xf32, #tpu.memory_space<vmem>>, vector<2048x1xf32>
    tpu.vector_store %arg2[%swap3A, %swap3A_113], %select_n3A_34 {strides = array<i32>} : memref<2048x1xf32, #tpu.memory_space<vmem>>, vector<2048x1xf32>,
    %add3A_115 = arith.constant 5.000000e-01 : f32
    %add3A_116 = vector.broadcast %add3A_115 : f32 to vector<2048x1xf32>
    %add3A_117 = arith.addf %sub3A_112, %add3A_116 : vector<2048x1xf32>
    %convert_element_type3A_118 = arith.fptosi %add3A_117 : vector<2048x1xf32> to vector<2048x1xi32>
    %swap3A_119 = arith.constant 0 : index
    %swap3A_120 = arith.constant 0 : index
    %swap3A_121 = vector.load %arg3[%swap3A_119, %swap3A_120] : memref<2048x1xi32, #tpu.memory_space<vmem>>, vector<2048x1xi32>
    tpu.vector_store %arg3[%swap3A_119, %swap3A_120], %convert_element_type3A_118 {strides = array<i32>} : memref<2048x1xi32, #tpu.memory_space<vmem>>, vector<2048x1xi32>,
    %add3A_122 = arith.constant 5.000000e-01 : f32
    %add3A_123 = vector.broadcast %add3A_122 : f32 to vector<1x8xf32>
    %add3A_124 = arith.addf %add3A_99, %add3A_123 : vector<1x8xf32>
    %convert_element_type3A_125 = arith.fptosi %add3A_124 : vector<1x8xf32> to vector<1x8xi32>
    %swap3A_126 = arith.constant 0 : index
    %swap3A_127 = arith.constant 0 : index
    %swap3A_128 = vector.load %arg4[%swap3A_126, %swap3A_127] : memref<1x8xi32, #tpu.memory_space<vmem>>, vector<1x8xi32>
    tpu.vector_store %arg4[%swap3A_126, %swap3A_127], %convert_element_type3A_125 {strides = array<i32>} : memref<1x8xi32, #tpu.memory_space<vmem>>, vector<1x8xi32>,
    return
  }
}

module attributes {stable_mosaic.version = 14 : i64} {
  func.func @_group_body(%arg0: i32, %arg1: memref<4x15xi32, #tpu.memory_space<smem>>, %arg2: memref<256x768xf32, #tpu.memory_space<vmem>>, %arg3: memref<1x768x768xf32, #tpu.memory_space<vmem>>, %arg4: memref<1x1x768xf32, #tpu.memory_space<vmem>>, %arg5: memref<256x1xf32, #tpu.memory_space<vmem>>, %arg6: memref<256x768xf32, #tpu.memory_space<vmem>>) attributes {dimension_semantics = [#tpu.dimension_semantics<arbitrary>], iteration_bounds = array<i64: 15>, scalar_prefetch = 1 : i64, scratch_operands = 0 : i64, tpu.core_type = #tpu.core_type<tc>, window_params = [{transform_indices = @transform_0, window_bounds = array<i64: 256, 768>}, {transform_indices = @transform_1, window_bounds = array<i64: 1, 768, 768>}, {transform_indices = @transform_2, window_bounds = array<i64: 1, 1, 768>}, {transform_indices = @transform_3, window_bounds = array<i64: 256, 1>}, {transform_indices = @transform_4, window_bounds = array<i64: 256, 768>}]} {
    %get3A = arith.constant 0 : index
    %get3A_0 = arith.index_cast %arg0 : i32 to index
    %get3A_1 = memref.load %arg1[%get3A, %get3A_0] : memref<4x15xi32, #tpu.memory_space<smem>>
    %get3A_2 = arith.constant 2 : index
    %get3A_3 = arith.index_cast %arg0 : i32 to index
    %get3A_4 = memref.load %arg1[%get3A_2, %get3A_3] : memref<4x15xi32, #tpu.memory_space<smem>>
    %get3A_5 = arith.constant 3 : index
    %get3A_6 = arith.index_cast %arg0 : i32 to index
    %get3A_7 = memref.load %arg1[%get3A_5, %get3A_6] : memref<4x15xi32, #tpu.memory_space<smem>>
    %sub3A = arith.constant 1 : i32
    %sub3A_8 = arith.subi %arg0, %sub3A : i32
    %max3A = arith.constant 0 : i32
    %max3A_9 = arith.maxsi %sub3A_8, %max3A : i32
    %get3A_10 = arith.constant 0 : index
    %get3A_11 = arith.index_cast %max3A_9 : i32 to index
    %get3A_12 = memref.load %arg1[%get3A_10, %get3A_11] : memref<4x15xi32, #tpu.memory_space<smem>>
    %eq3A = arith.constant 0 : i32
    %eq3A_13 = arith.cmpi eq, %arg0, %eq3A : i32
    %ne3A = arith.cmpi ne, %get3A_1, %get3A_12 : i32
    %or3A = arith.ori %eq3A_13, %ne3A : i1
    %get3A_14 = arith.constant 0 : index
    %get3A_15 = arith.constant 0 : index
    %get3A_16 = vector.load %arg2[%get3A_14, %get3A_15] : memref<256x768xf32, #tpu.memory_space<vmem>>, vector<256x768xf32>
    %get3A_17 = arith.constant 0 : index
    %get3A_18 = arith.constant 0 : index
    %get3A_19 = arith.constant 0 : index
    %get3A_20 = vector.load %arg3[%get3A_17, %get3A_18, %get3A_19] : memref<1x768x768xf32, #tpu.memory_space<vmem>>, vector<1x768x768xf32>
    %get3A_21 = vector.shape_cast %get3A_20 : vector<1x768x768xf32> to vector<768x768xf32>
    %dot_general3A = arith.constant dense<0.000000e+00> : vector<256x768xf32>
    %dot_general3A_22 = tpu.matmul %get3A_16, %get3A_21, %dot_general3A {dimension_numbers = #tpu.dot_dimension_numbers<[1], [1], [0], [0], [0, 0, 1, 0], [], []>, transpose_lhs_hint = false} : vector<256x768xf32>, vector<768x768xf32>, vector<256x768xf32> -> vector<256x768xf32>
    %get3A_23 = arith.constant 0 : index
    %get3A_24 = arith.constant 0 : index
    %get3A_25 = vector.load %arg5[%get3A_23, %get3A_24] : memref<256x1xf32, #tpu.memory_space<vmem>>, vector<256x1xf32>
    %get3A_26 = arith.constant 0 : index
    %get3A_27 = arith.constant 0 : index
    %get3A_28 = arith.constant 0 : index
    %get3A_29 = vector.load %arg4[%get3A_26, %get3A_27, %get3A_28] : memref<1x1x768xf32, #tpu.memory_space<vmem>>, vector<1x1x768xf32>
    %get3A_30 = vector.shape_cast %get3A_29 : vector<1x1x768xf32> to vector<1x768xf32>
    %add3A = vector.broadcast %get3A_30 : vector<1x768xf32> to vector<256x768xf32>
    %add3A_31 = arith.addf %dot_general3A_22, %add3A : vector<256x768xf32>
    %mul3A = vector.broadcast %get3A_25 : vector<256x1xf32> to vector<256x768xf32>
    %mul3A_32 = arith.mulf %mul3A, %add3A_31 : vector<256x768xf32>
    %iota3A = tpu.iota {dimensions = array<i32: 0>} : vector<256x1xi32>
    %ge3A = vector.broadcast %get3A_4 : i32 to vector<256x1xi32>
    %ge3A_33 = arith.cmpi sge, %iota3A, %ge3A : vector<256x1xi32>
    %lt3A = vector.broadcast %get3A_7 : i32 to vector<256x1xi32>
    %lt3A_34 = arith.cmpi slt, %iota3A, %lt3A : vector<256x1xi32>
    %and3A = arith.andi %ge3A_33, %lt3A_34 : vector<256x1xi1>
    %jit3A = arith.constant 0.000000e+00 : f32
    %broadcast_in_dim3A = vector.shape_cast %and3A : vector<256x1xi1> to vector<256x1xi1>
    %broadcast_in_dim3A_35 = vector.broadcast %broadcast_in_dim3A : vector<256x1xi1> to vector<256x768xi1>
    %broadcast_in_dim3A_36 = vector.broadcast %jit3A : f32 to vector<256x768xf32>
    %select_n3A = arith.select %broadcast_in_dim3A_35, %mul3A_32, %broadcast_in_dim3A_36 : vector<256x768xi1>, vector<256x768xf32>
    %convert_element_type3A = arith.extui %or3A : i1 to i32
    %cond3A = arith.constant 0 : i32
    %cond3A_37 = arith.cmpi ne, %convert_element_type3A, %cond3A : i32
    scf.if %cond3A_37 {
      %swap3A = arith.constant 0 : index
      %swap3A_42 = arith.constant 0 : index
      %swap3A_43 = vector.load %arg6[%swap3A, %swap3A_42] : memref<256x768xf32, #tpu.memory_space<vmem>>, vector<256x768xf32>
      tpu.vector_store %arg6[%swap3A, %swap3A_42], %select_n3A {strides = array<i32>} : memref<256x768xf32, #tpu.memory_space<vmem>>, vector<256x768xf32>,
    } else {
    }
    %not3A = arith.constant true
    %not3A_38 = arith.xori %or3A, %not3A : i1
    %convert_element_type3A_39 = arith.extui %not3A_38 : i1 to i32
    %cond3A_40 = arith.constant 0 : i32
    %cond3A_41 = arith.cmpi ne, %convert_element_type3A_39, %cond3A_40 : i32
    scf.if %cond3A_41 {
      %get3A_42 = arith.constant 0 : index
      %get3A_43 = arith.constant 0 : index
      %get3A_44 = vector.load %arg6[%get3A_42, %get3A_43] : memref<256x768xf32, #tpu.memory_space<vmem>>, vector<256x768xf32>
      %add3A_45 = arith.addf %get3A_44, %select_n3A : vector<256x768xf32>
      %swap3A = arith.constant 0 : index
      %swap3A_46 = arith.constant 0 : index
      %swap3A_47 = vector.load %arg6[%swap3A, %swap3A_46] : memref<256x768xf32, #tpu.memory_space<vmem>>, vector<256x768xf32>
      tpu.vector_store %arg6[%swap3A, %swap3A_46], %add3A_45 {strides = array<i32>} : memref<256x768xf32, #tpu.memory_space<vmem>>, vector<256x768xf32>,
    } else {
    }
    return
  }
  func.func @transform_0(%arg0: i32, %arg1: memref<4x15xi32, #tpu.memory_space<smem>>) -> (i32, i32) {
    %get3A = arith.constant 0 : index
    %get3A_0 = arith.index_cast %arg0 : i32 to index
    %get3A_1 = memref.load %arg1[%get3A, %get3A_0] : memref<4x15xi32, #tpu.memory_space<smem>>
    %c0_i32 = arith.constant 0 : i32
    %c0_i32_2 = arith.constant 0 : i32
    return %get3A_1, %c0_i32 : i32, i32
  }
  func.func @transform_1(%arg0: i32, %arg1: memref<4x15xi32, #tpu.memory_space<smem>>) -> (i32, i32, i32) {
    %get3A = arith.constant 1 : index
    %get3A_0 = arith.index_cast %arg0 : i32 to index
    %get3A_1 = memref.load %arg1[%get3A, %get3A_0] : memref<4x15xi32, #tpu.memory_space<smem>>
    %c0_i32 = arith.constant 0 : i32
    %c0_i32_2 = arith.constant 0 : i32
    %c0_i32_3 = arith.constant 0 : i32
    return %get3A_1, %c0_i32, %c0_i32_2 : i32, i32, i32
  }
  func.func @transform_2(%arg0: i32, %arg1: memref<4x15xi32, #tpu.memory_space<smem>>) -> (i32, i32, i32) {
    %get3A = arith.constant 1 : index
    %get3A_0 = arith.index_cast %arg0 : i32 to index
    %get3A_1 = memref.load %arg1[%get3A, %get3A_0] : memref<4x15xi32, #tpu.memory_space<smem>>
    %c0_i32 = arith.constant 0 : i32
    %c0_i32_2 = arith.constant 0 : i32
    %c0_i32_3 = arith.constant 0 : i32
    return %get3A_1, %c0_i32, %c0_i32_2 : i32, i32, i32
  }
  func.func @transform_3(%arg0: i32, %arg1: memref<4x15xi32, #tpu.memory_space<smem>>) -> (i32, i32) {
    %get3A = arith.constant 0 : index
    %get3A_0 = arith.index_cast %arg0 : i32 to index
    %get3A_1 = memref.load %arg1[%get3A, %get3A_0] : memref<4x15xi32, #tpu.memory_space<smem>>
    %c0_i32 = arith.constant 0 : i32
    %c0_i32_2 = arith.constant 0 : i32
    return %get3A_1, %c0_i32 : i32, i32
  }
  func.func @transform_4(%arg0: i32, %arg1: memref<4x15xi32, #tpu.memory_space<smem>>) -> (i32, i32) {
    %get3A = arith.constant 0 : index
    %get3A_0 = arith.index_cast %arg0 : i32 to index
    %get3A_1 = memref.load %arg1[%get3A, %get3A_0] : memref<4x15xi32, #tpu.memory_space<smem>>
    %c0_i32 = arith.constant 0 : i32
    %c0_i32_2 = arith.constant 0 : i32
    return %get3A_1, %c0_i32 : i32, i32
  }
}

</mosaic_0001>

<sc_bundles>
// kernel: kernel.6.cloned.1.call-start
scs
__scs_entry_jumppad:
0x0: {  	(pc) =	sbr.rel $0x88, $3  }
0x1: {  	(tag) =	ssettag $0x0;
	lr =	simm.s32 $0x1  }
0x2: {  	[smem:$0x3F9D] =	sst lr;
	_ =	strace $0xD0000000  }
0x3: {  	_ = 	snop  }
0x4: {  	_ = 	snop  }
0x5: {  	_ = 	snop  }
0x6: {  	_ = 	snop  }
0x7: {  	_ = 	snop  }
__scs_overlays_trampoline_lowered:
0x8: {  	[smem:$0x3FAC] =	sst s0  }
0x9: {  	[smem:$0x3FAD] =	sst s1  }
0xa: {  	[smem:$0x3FAE] =	sst s2  }
0xb: {  	[smem:$0x3FAF] =	sst s3  }
0xc: {  	[smem:$0x3FB0] =	sst s4  }
0xd: {  	[smem:$0x3FB1] =	sst s5  }
0xe: {  	[smem:$0x3FB2] =	sst s6  }
0xf: {  	[smem:$0x3FB3] =	sst s7  }
0x10: {  	[smem:$0x3FB4] =	sst s8  }
0x11: {  	[smem:$0x3FB5] =	sst s9;
	s0 =	simm.s32 @!p0 $0x0  }
0x12: {  	s1 =	sld [smem:$0x3F9B];
	s0 =	simm.s32 @p0 $0x1  }
0x13: {  	[smem:$0x3FB6] =	sst s0;
	s0 =	simm.s32 @!p1 $0x0  }
0x14: {  	s2 =	sld [smem:$0x3F9A];
	s0 =	simm.s32 @p1 $0x1  }
0x15: {  	[smem:$0x3FB7] =	sst s0;
	s0 =	simm.s32 @!p2 $0x0  }
0x16: {  	s3 =	sld [smem:$0x3FDB];
	s0 =	simm.s32 @p2 $0x1  }
0x17: {  	s4 =	simm.s32 $0x1BF5;
	[smem:$0x3FB9] =	sst s0  }
0x18: {  	s0 =	sld [smem:$0x3F9C];
	_ =	swait.ge [sflag:s4], $0x0  }
0x19: {  	s7 =	sld [smem:$0x3F9D]  }
0x1a: {  	s8 =	sadd.s32 $0xFFFFE003, lr  }
0x1b: {  	s9 =	sadd.s32 $0xFFFFFEF7, lr;
	s5 =	simm.s32 $0xFFFFFFFF;
	p2 =	slt.u32 s8, $0xFFFFF086  }
0x1c: {  	p1 =	slt.u32 s9, $0xF7A;
	s5 =	simm.s32 @!p2 $0x0  }
0x1d: {  	s5 =	simm.s32 @p1 $0x1;
	p0 =	seq.s32 s7, s2  }
0x1e: {  	s7 =	smul.u32 @!p0 $0xF7A, s2;
	p2 =	seq.s32 @!p0 s5, $0x0  }
0x1f: {  	s9 =	smul.u32 $0xF7A, s1;
	s8 =	simm.s32 @!p0 $0x1BF5;
	p2 =	por !p2, p0  }
0x20: {  	[sflag:s8] =	ssyncset.s32 @!p0 $0xFFFFF086;
	s6 =	sadd.s32 @!p0 s3, s7;
	s7 =	simm.s32 @!p0 $0x108  }
0x21: {  	s3 =	sadd.s32 s3, s9;
	s6 =	sadd.s32 @!p0 $0x88, s6;
	s7 =	simm.s32 @p2 $0x1082  }
0x22: {  	[simem:s7], [sflag:s8] =	dma.local @!p0 [hbm:s6], $0xF7A  }
0x23: {  	s9 =	sor.u32 $0xD0000000, s2;
	s6 =	simm.s32 $0x108;
	_ =	swait.ge @!p0 [sflag:s8], $0x0  }
0x24: {  	s3 =	sadd.s32 $0x88, s3;
	s6 =	simm.s32 @!p1 $0x1082;
	[sflag:s4] =	ssyncset.s32 $0xFFFFF086  }
0x25: {  	[simem:s6], [sflag:s4] =	dma.local [hbm:s3], $0xF7A  }
0x26: {  	[smem:$0x3F9D] =	sst s1;
	(tag) =	ssettag s2;
	_ =	strace s9  }
0x27: {  	s1 =	sld [smem:$0x3FAD]  }
0x28: {  	s2 =	sld [smem:$0x3FAE]  }
0x29: {  	s4 =	sld [smem:$0x3FB0]  }
0x2a: {  	p0 =	seq.s32 s5, $0x0;
	s5 =	sld [smem:$0x3FB1]  }
0x2b: {  	s6 =	sld [smem:$0x3FB2]  }
0x2c: {  	s7 =	sld [smem:$0x3FB3]  }
0x2d: {  	s3 =	simm.s32 $0x108;
	s8 =	sld [smem:$0x3FB4]  }
0x2e: {  	s3 =	simm.s32 @!p0 $0x1082;
	s9 =	sld [smem:$0x3FB5]  }
0x2f: {  	lr =	sadd.s32 s0, s3;
	s0 =	sld [smem:$0x3FAC]  }
0x30: {  	s3 =	sld [smem:$0x3FAF]  }
0x31: {  	[smem:$0x3FB8] =	sst s10  }
0x32: {  	s10 =	sld [smem:$0x3FB6];
	_ =	sdelay $0x3  }
0x33: {  	p0 =	seq.s32 s10, $0x1;
	s10 =	sld [smem:$0x3FB8];
	_ =	sdelay $0x3  }
0x34: {  	[smem:$0x3FB8] =	sst s10  }
0x35: {  	s10 =	sld [smem:$0x3FB7];
	_ =	sdelay $0x3  }
0x36: {  	p1 =	seq.s32 s10, $0x1;
	s10 =	sld [smem:$0x3FB8];
	_ =	sdelay $0x3  }
0x37: {  	[smem:$0x3FB8] =	sst s10  }
0x38: {  	s10 =	sld [smem:$0x3FB9]  }
0x39: {  	_ = 	snop;
	(pc) =	sbr.ind lr, $3  }
0x3a: {  	_ = 	snop  }
0x3b: {  	_ = 	snop  }
0x3c: {  	p2 =	seq.s32 s10, $0x1;
	s10 =	sld [smem:$0x3FB8]  }
0x3d: {  	_ =	shalt  }
0x3e: {  	_ =	shalt  }
0x3f: {  	_ =	shalt  }
0x40: {  	_ =	shalt  }
0x41: {  	_ =	shalt  }
0x42: {  	_ =	shalt  }
0x43: {  	_ =	shalt  }
0x44: {  	_ =	shalt  }
0x45: {  	_ =	shalt  }
0x46: {  	_ =	shalt  }
0x47: {  	_ =	shalt  }
0x48: {  	_ =	shalt  }
0x49: {  	_ =	shalt  }
0x4a: {  	_ =	shalt  }
0x4b: {  	_ =	shalt  }
0x4c: {  	_ =	shalt  }
0x4d: {  	_ =	shalt  }
0x4e: {  	_ =	shalt  }
0x4f: {  	_ =	shalt  }
0x50: {  	_ =	shalt  }
0x51: {  	_ =	shalt  }
0x52: {  	_ =	shalt  }
0x53: {  	_ =	shalt  }
0x54: {  	_ =	shalt  }
0x55: {  	_ =	shalt  }
0x56: {  	_ =	shalt  }
0x57: {  	_ =	shalt  }
0x58: {  	_ =	shalt  }
0x59: {  	_ =	shalt  }
0x5a: {  	_ =	shalt  }
0x5b: {  	_ =	shalt  }
0x5c: {  	_ =	shalt  }
0x5d: {  	_ =	shalt  }
0x5e: {  	_ =	shalt  }
0x5f: {  	_ =	shalt  }
0x60: {  	_ =	shalt  }
0x61: {  	_ =	shalt  }
0x62: {  	_ =	shalt  }
0x63: {  	_ =	shalt  }
0x64: {  	_ =	shalt  }
0x65: {  	_ =	shalt  }
0x66: {  	_ =	shalt  }
0x67: {  	_ =	shalt  }
0x68: {  	_ =	shalt  }
0x69: {  	_ =	shalt  }
0x6a: {  	_ =	shalt  }
0x6b: {  	_ =	shalt  }
0x6c: {  	_ =	shalt  }
0x6d: {  	_ =	shalt  }
0x6e: {  	_ =	shalt  }
0x6f: {  	_ =	shalt  }
0x70: {  	_ =	shalt  }
0x71: {  	_ =	shalt  }
0x72: {  	_ =	shalt  }
0x73: {  	_ =	shalt  }
0x74: {  	_ =	shalt  }
0x75: {  	_ =	shalt  }
0x76: {  	_ =	shalt  }
0x77: {  	_ =	shalt  }
0x78: {  	_ =	shalt  }
0x79: {  	_ =	shalt  }
0x7a: {  	_ =	shalt  }
0x7b: {  	_ =	shalt  }
0x7c: {  	_ =	shalt  }
0x7d: {  	_ =	shalt  }
0x7e: {  	_ =	shalt  }
0x7f: {  	_ =	shalt  }
0x80: {  	_ =	shalt  }
0x81: {  	_ =	shalt  }
0x82: {  	_ =	shalt  }
0x83: {  	_ =	shalt  }
0x84: {  	_ =	shalt  }
0x85: {  	_ =	shalt  }
0x86: {  	_ =	shalt  }
0x87: {  	_ =	shalt  }
.Lfunc_end0:
.L_simem_size_0:
called_computation_lowered:
.L_overlay_start_0:
0x88: {  	s2 =	sld [smem:$0x3FD9]  }
0x89: {  	s3 =	sld [smem:$0x3FFE];
	_ =	sdelay $0x1  }
0x8a: {  	s1 =	srdreg.scid  }
0x8b: {  	s0 =	sand.u32 $0x1, s1  }
0x8c: {  	s17 =	sshll.u32 s0, $0xA;
	s2 =	sadd.s32 s3, s2  }
0x8d: {  	s2 =	sadd.s32 s2, s17  }
0x8e: {  	[smem:$0x3FC4] =	sst s2  }
0x8f: {  	_ = 	snop  }
0x90: {  	s2 =	sld [smem:$0x3FC9]  }
0x91: {  	s18 =	sld [smem:$0x3FD0];
	(tm) =	ssettm $0x1  }
0x92: {  	s4 =	sld [smem:$0x3FFB];
	_ =	sdelay $0x3  }
0x93: {  	_ =	strace s4  }
0x94: {  	s4 =	sld [smem:$0x3FFC];
	_ =	sdelay $0x3  }
0x95: {  	_ =	strace s4  }
0x96: {  	s4 =	sld [smem:$0x3FFD];
	_ =	sdelay $0x3  }
0x97: {  	_ =	strace s4  }
0x98: {  	_ =	strace $0x8FFFFFFF  }
0x99: {  	s19 =	sld [smem:$0x3FDB];
	_ =	sdelay $0x1  }
0x9a: {  	s5 =	simm.s32 $_scs_section_size  }
0x9b: {  	s6 =	simm.s32 $_size__tile_overlayer_lowered;
	s7 =	simm.s32 $_tile_overlayer_lowered  }
0x9c: {  	s22 =	simm.s32 $0x1BFF;
	s21 =	sshll.u32 s7, $0x1;
	s4 =	sadd.s32 s5, s19  }
0x9d: {  	s8 =	simm.s32 $0x0;
	s20 =	sshll.u32 s6, $0x1;
	s6 =	sadd.s32 s21, s4  }
0x9e: {  	[timem:s8], [sflag:s22] =	dma.local [hbm:s6], s20  }
0x9f: {  	_ =	swait.ge [sflag:s22], s20  }
0xa0: {  	s5 =	ssub.s32 $0x0, s20;
	[sflag:s22] =	ssyncset.done $0x0  }
0xa1: {  	[sflag:s22] =	ssyncadd.s32 s5;
	_ =	sdelay $0x1  }
0xa2: {  	s23 =	simm.s32 $0x1B8B  }
0xa3: {  	_ =	swait.ge [sflag:s23], $0x1  }
0xa4: {  	[sflag:s23] =	ssyncset.done $0x0  }
0xa5: {  	s25 =	simm.s32 $0x1B8E;
	s24 =	sld [smem:$0x3FFE];
	[sflag:s23] =	ssyncadd.s32 $0xFFFFFFFF  }
0xa6: {  	s26 =	simm.s32 $execute0_lowered;
	[smem:$0x3FD2] =	sst s25  }
0xa7: {  	s6 =	sshll.u32 s26, $0x1;
	_ =	strace $0x80000046;
	[dreg:$0x1] =	wrdreg $0xFFFFFFFF  }
0xa8: {  	s28 =	simm.s32 $_size_execute0_lowered;
	s4 =	sadd.s32 s4, s6;
	[dreg:$0x0] =	wrdreg $0x0  }
0xa9: {  	s6 =	sshll.u32 s28, $0x1;
	[dreg:$0x2] =	wrdreg s4  }
0xaa: {  	[dreg:$0x3] =	wrdreg s6  }
0xab: {  	[dreg:$0x4] =	wrdreg $0xC0  }
0xac: {  	_ =	task [dreg:s8], $0x5FFFF  }
0xad: {  	[dreg:$0x1] =	wrdreg $0xFFFFFFFF  }
0xae: {  	[dreg:$0x0] =	wrdreg $0x60  }
0xaf: {  	[dreg:$0x2] =	wrdreg s2  }
0xb0: {  	[dreg:$0x3] =	wrdreg s24  }
0xb1: {  	[dreg:$0x4] =	wrdreg s18  }
0xb2: {  	[dreg:$0x5] =	wrdreg $0x9  }
0xb3: {  	_ =	task.clear_ibuf [dreg:s8], $0x6FFFF;
	_ =	strace $0x90000046  }
0xb4: {  	s29 =	simm.s32 $0x9;
	_ =	strace $0x80000048  }
0xb5: {  	_ =	swait.ge [sflag:s29], $0x1  }
0xb6: {  	[sflag:s29] =	ssyncadd.s32 $0xFFFFFFFF  }
0xb7: {  	_ =	strace $0x90000048  }
0xb8: {  	_ =	sfence  }
0xb9: {  	s30 =	sld [smem:$0x0];
	_ =	sdelay $0x2  }
0xba: {  	s31 =	sshll.u32 s1, $0xD;
	s1 =	sshrl.u32 s1, $0x2  }
0xbb: {  	s3 =	sand.u32 $0x4000, s31;
	s1 =	sadd.s32 s1, s30  }
0xbc: {  	s0 =	sor.u32 s3, s0;
	s1 =	sshll.u32 s1, $0x11  }
0xbd: {  	s0 =	sor.u32 s1, s0  }
0xbe: {  	s0 =	sadd.s32 $0x8F2B, s0  }
0xbf: {  	[sflag:s0] =	ssyncadd.remote.s32 $0x1  }
0xc0: {  	_ =	sfence.sel $0xFFFF  }
0xc1: {  	[dreg:$0x0] =	wrdreg $0xFFFFFFFF;
	(pc) =	sbr.abs _section_cstart, $3  }
0xc2: {  	[dreg:$0x1] =	wrdreg $0xFFFFFFFF  }
0xc3: {  	_ =	task.clear_ibuf [dreg:s8], $0x2FFFF;
	_ =	strace $0x9FFFFFFF  }
0xc4: {  	(tm) =	ssettm $0x7FFFFFFF  }
0xc5: {  	_ =	shalt  }
tec
execute0_lowered:
.L_overlay_start_1:
0x0: {  	(tag) =	ssettag $0x1  }
0x1: {  	s0 =	rddreg [dreg:$0x0]  }
0x2: {  	s4 =	rddreg [dreg:$0x1]  }
0x3: {  	s2 =	rddreg [dreg:$0x2];
	s5 =	srdreg.scid  }
0x4: {  	s3 =	simm.s32 $0x0;
	s1 =	stileid.u32;
	s24 =	simm.s32 $0x880  }
0x5: {  	s25 =	simm.s32 $0x1080;
	s8 =	simm.s32 $0x80;
	s26 =	simm.s32 $0x1880  }
0x6: {  	s9 =	simm.s32 $0xC080;
	s11 =	simm.s32 $0x2880;
	s12 =	simm.s32 $0x3080  }
0x7: {  	s13 =	simm.s32 $0x3880;
	s14 =	simm.s32 $0x4080;
	s15 =	simm.s32 $0x4880  }
0x8: {  	s16 =	simm.s32 $0x5080;
	s17 =	simm.s32 $0x5880;
	s18 =	simm.s32 $0x6080  }
0x9: {  	s19 =	simm.s32 $0x6880;
	s28 =	simm.s32 $0xA880;
	s29 =	simm.s32 $0xB080  }
0xa: {  	s30 =	simm.s32 $0xB880;
	s31 =	simm.s32 $0x1;
	[smem:$0x7FF] =	sst s3  }
0xb: {  	s5 =	sand.u32 $0x1, s5;
	_ =	strace $0x80000047;
	[dreg:$0x8] =	wrdreg s24  }
0xc: {  	s6 =	sshll.u32 s1, $0x4;
	s7 =	sshll.u32 s5, $0x3;
	[dreg:$0x9] =	wrdreg s25  }
0xd: {  	s5 =	ssub.s32 $0x2, s5;
	[dreg:$0xa] =	wrdreg s26;
	s24 =	simm.s32 $0x9080  }
0xe: {  	s25 =	simm.s32 $0x9880;
	s26 =	simm.s32 $0xA080;
	s6 =	sor.u32 s7, s6  }
0xf: {  	s21 =	sshrl.u32 s5, $0x1;
	s7 =	sadd.s32 s6, s4;
	s4 =	sadd.s32 $0xE00, s4  }
0x10: {  	s6 =	smul.u32 $0x300, s6;
	s23 =	ssub.s32 s5, s21;
	s5 =	sadd.s32 $0x200, s2  }
0x11: {  	s21 =	simm.s32 $0x7880;
	[dreg:$0x4] =	wrdreg s4;
	s20 =	sadd.s32 $0xC00, s7  }
0x12: {  	s22 =	sadd.s32 $0xA00, s7;
	s4 =	sadd.s32 $0x100, s2;
	[dreg:$0x5] =	wrdreg s20  }
0x13: {  	v2 =	vlaneseq.u32;
	s7 =	simm.s32 $0x2;
	s0 =	sadd.s32 s0, s6;
	[dreg:$0x7] =	wrdreg s22  }
0x14: {  	vm0 =	vmmov $0xffff;
	v1 =	vshrl.u32 v2, $0x3;
	s6 =	smax.u32 s23, $0x1;
	s20 =	simm.s32 $0x7080;
	s22 =	simm.s32 $0x8080  }
0x15: {  	v0 =	vand.u32 $0x7, v2;
	v2 =	vor.u32 $0x8, v2;
	v1 =	vmul.u32 $0x8, v1;
	s23 =	simm.s32 $0x8880;
	[dreg:$0x6] =	wrdreg s0;
	s0 =	simm.s32 $0x40  }
.LBB2_1:
0x16: {  	s1 =	rddreg [dreg:$0x5]  }
0x17: {  	[tilespmem:s3], [sflag:$0x2] =	stream.linear.gather [hbm4b:s1+s3], $0x40, $0x38;
	[tilespmem:$0xC100] =	vst v63  }
0x18: {  	_ =	swait.ge [sflag:s7], $0x40  }
0x19: {  	[sflag:s7] =	ssyncset.done $0x0  }
0x1a: {  	s10 =	rddreg [dreg:$0x6];
	[sflag:s7] =	ssyncadd.s32 $0xFFFFFFC0  }
0x1b: {  	[tilespmem:s8], [sflag:$0x2] =	stream.linear.gather [hbm4b:s10+s3], $0xC000, $0x38;
	[tilespmem:$0xC100] =	vst v63  }
0x1c: {  	_ =	swait.ge [sflag:s7], $0xC000  }
0x1d: {  	[sflag:s7] =	ssyncset.done $0x0  }
0x1e: {  	s10 =	rddreg [dreg:$0x7];
	[sflag:s7] =	ssyncadd.s32 $0xFFFF4000  }
0x1f: {  	[tilespmem:s9], [sflag:$0x2] =	stream.linear.gather [hbm4b:s10+s3], $0x40, $0x38;
	[tilespmem:$0xC100] =	vst v63  }
0x20: {  	_ =	swait.ge [sflag:s7], $0x40  }
0x21: {  	[sflag:s7] =	ssyncset.done $0x0  }
0x22: {  	[sflag:s7] =	ssyncadd.s32 $0xFFFFFFC0  }
0x23: {  	v3 =	vld [tilespmem:$0x0];
	_ =	sdelay $0x4  }
0x24: {  	v4 =	vshrl.u32 v3, $0x3  }
0x25: {  	v4 =	vmul.u32 $0x30, v4  }
0x26: {  	v3 =	vand.u32 $0x7, v3  }
0x27: {  	v3 =	vor.u32 v3, v4  }
0x28: {  	v4 =	vperm.xlane v3, v0;
	_ =	sdelay $0x1  }
0x29: {  	v4 =	vadd.s32 v1, v4;
	_ =	sdelay $0x3  }
0x2a: {  	v3 =	vperm.xlane v3, v2  }
0x2b: {  	[hbm4b:s2+s3] =	stream.indirect_vreg.scatter [tilespmem:s8], [sflag:$0x1], $0x80, v4, vm0, $0xb8;
	[tilespmem:$0xC100] =	vst v63  }
0x2c: {  	s1 =	rddreg [dreg:$0x8];
	v3 =	vadd.s32 v1, v3  }
0x2d: {  	[hbm4b:s4+s3] =	stream.indirect_vreg.scatter [tilespmem:s1], [sflag:$0x1], $0x80, v4, vm0, $0xb8;
	[tilespmem:$0xC100] =	vst v63  }
0x2e: {  	s10 =	rddreg [dreg:$0x9]  }
0x2f: {  	[hbm4b:s5+s3] =	stream.indirect_vreg.scatter [tilespmem:s10], [sflag:$0x1], $0x80, v4, vm0, $0xb8;
	[tilespmem:$0xC100] =	vst v63  }
0x30: {  	s1 =	rddreg [dreg:$0xa]  }
0x31: {  	[hbm4b:s2+s3] =	stream.indirect_vreg.scatter [tilespmem:s1], [sflag:$0x1], $0x80, v3, vm0, $0xb8;
	[tilespmem:$0xC100] =	vst v63  }
0x32: {  	s10 =	simm.s32 $0x2080  }
0x33: {  	[hbm4b:s4+s3] =	stream.indirect_vreg.scatter [tilespmem:s10], [sflag:$0x1], $0x80, v3, vm0, $0xb8;
	[tilespmem:$0xC100] =	vst v63  }
0x34: {  	_ = 	snop  }
0x35: {  	[hbm4b:s5+s3] =	stream.indirect_vreg.scatter [tilespmem:s11], [sflag:$0x1], $0x80, v3, vm0, $0xb8;
	[tilespmem:$0xC100] =	vst v63  }
0x36: {  	v3 =	vld [tilespmem:$0x10];
	_ =	sdelay $0x4  }
0x37: {  	v61 =	vshrl.u32 v3, $0x3  }
0x38: {  	v4 =	vmul.u32 $0x30, v61  }
0x39: {  	v3 =	vand.u32 $0x7, v3  }
0x3a: {  	v3 =	vor.u32 v3, v4  }
0x3b: {  	v4 =	vperm.xlane v3, v0;
	_ =	sdelay $0x1  }
0x3c: {  	v4 =	vadd.s32 v1, v4;
	_ =	sdelay $0x3  }
0x3d: {  	v3 =	vperm.xlane v3, v2  }
0x3e: {  	[hbm4b:s2+s3] =	stream.indirect_vreg.scatter [tilespmem:s12], [sflag:$0x1], $0x80, v4, vm0, $0xb8;
	[tilespmem:$0xC100] =	vst v63  }
0x3f: {  	v3 =	vadd.s32 v1, v3  }
0x40: {  	[hbm4b:s4+s3] =	stream.indirect_vreg.scatter [tilespmem:s13], [sflag:$0x1], $0x80, v4, vm0, $0xb8;
	[tilespmem:$0xC100] =	vst v63  }
0x41: {  	_ = 	snop  }
0x42: {  	[hbm4b:s5+s3] =	stream.indirect_vreg.scatter [tilespmem:s14], [sflag:$0x1], $0x80, v4, vm0, $0xb8;
	[tilespmem:$0xC100] =	vst v63  }
0x43: {  	_ = 	snop  }
0x44: {  	[hbm4b:s2+s3] =	stream.indirect_vreg.scatter [tilespmem:s15], [sflag:$0x1], $0x80, v3, vm0, $0xb8;
	[tilespmem:$0xC100] =	vst v63  }
0x45: {  	_ = 	snop  }
0x46: {  	[hbm4b:s4+s3] =	stream.indirect_vreg.scatter [tilespmem:s16], [sflag:$0x1], $0x80, v3, vm0, $0xb8;
	[tilespmem:$0xC100] =	vst v63  }
0x47: {  	_ = 	snop  }
0x48: {  	[hbm4b:s5+s3] =	stream.indirect_vreg.scatter [tilespmem:s17], [sflag:$0x1], $0x80, v3, vm0, $0xb8;
	[tilespmem:$0xC100] =	vst v63  }
0x49: {  	v3 =	vld [tilespmem:$0x20];
	_ =	sdelay $0x4  }
0x4a: {  	v62 =	vshrl.u32 v3, $0x3  }
0x4b: {  	v4 =	vmul.u32 $0x30, v62  }
0x4c: {  	v3 =	vand.u32 $0x7, v3  }
0x4d: {  	v3 =	vor.u32 v3, v4  }
0x4e: {  	v4 =	vperm.xlane v3, v0;
	_ =	sdelay $0x1  }
0x4f: {  	v4 =	vadd.s32 v1, v4;
	_ =	sdelay $0x3  }
0x50: {  	v3 =	vperm.xlane v3, v2  }
0x51: {  	[hbm4b:s2+s3] =	stream.indirect_vreg.scatter [tilespmem:s18], [sflag:$0x1], $0x80, v4, vm0, $0xb8;
	[tilespmem:$0xC100] =	vst v63  }
0x52: {  	v3 =	vadd.s32 v1, v3  }
0x53: {  	[hbm4b:s4+s3] =	stream.indirect_vreg.scatter [tilespmem:s19], [sflag:$0x1], $0x80, v4, vm0, $0xb8;
	[tilespmem:$0xC100] =	vst v63  }
0x54: {  	_ = 	snop  }
0x55: {  	[hbm4b:s5+s3] =	stream.indirect_vreg.scatter [tilespmem:s20], [sflag:$0x1], $0x80, v4, vm0, $0xb8;
	[tilespmem:$0xC100] =	vst v63  }
0x56: {  	_ = 	snop  }
0x57: {  	[hbm4b:s2+s3] =	stream.indirect_vreg.scatter [tilespmem:s21], [sflag:$0x1], $0x80, v3, vm0, $0xb8;
	[tilespmem:$0xC100] =	vst v63  }
0x58: {  	_ = 	snop  }
0x59: {  	[hbm4b:s4+s3] =	stream.indirect_vreg.scatter [tilespmem:s22], [sflag:$0x1], $0x80, v3, vm0, $0xb8;
	[tilespmem:$0xC100] =	vst v63  }
0x5a: {  	_ = 	snop  }
0x5b: {  	[hbm4b:s5+s3] =	stream.indirect_vreg.scatter [tilespmem:s23], [sflag:$0x1], $0x80, v3, vm0, $0xb8;
	[tilespmem:$0xC100] =	vst v63  }
0x5c: {  	v3 =	vld [tilespmem:$0x30];
	_ =	sdelay $0x4  }
0x5d: {  	v63 =	vshrl.u32 v3, $0x3  }
0x5e: {  	v4 =	vmul.u32 $0x30, v63  }
0x5f: {  	v3 =	vand.u32 $0x7, v3  }
0x60: {  	v3 =	vor.u32 v3, v4  }
0x61: {  	v4 =	vperm.xlane v3, v0;
	_ =	sdelay $0x1  }
0x62: {  	v4 =	vadd.s32 v1, v4;
	_ =	sdelay $0x3  }
0x63: {  	v3 =	vperm.xlane v3, v2  }
0x64: {  	[hbm4b:s2+s3] =	stream.indirect_vreg.scatter [tilespmem:s24], [sflag:$0x1], $0x80, v4, vm0, $0xb8;
	[tilespmem:$0xC100] =	vst v63  }
0x65: {  	v3 =	vadd.s32 v1, v3  }
0x66: {  	[hbm4b:s4+s3] =	stream.indirect_vreg.scatter [tilespmem:s25], [sflag:$0x1], $0x80, v4, vm0, $0xb8;
	[tilespmem:$0xC100] =	vst v63  }
0x67: {  	_ = 	snop  }
0x68: {  	[hbm4b:s5+s3] =	stream.indirect_vreg.scatter [tilespmem:s26], [sflag:$0x1], $0x80, v4, vm0, $0xb8;
	[tilespmem:$0xC100] =	vst v63  }
0x69: {  	_ = 	snop  }
0x6a: {  	[hbm4b:s2+s3] =	stream.indirect_vreg.scatter [tilespmem:s28], [sflag:$0x1], $0x80, v3, vm0, $0xb8;
	[tilespmem:$0xC100] =	vst v63  }
0x6b: {  	_ = 	snop  }
0x6c: {  	[hbm4b:s4+s3] =	stream.indirect_vreg.scatter [tilespmem:s29], [sflag:$0x1], $0x80, v3, vm0, $0xb8;
	[tilespmem:$0xC100] =	vst v63  }
0x6d: {  	_ = 	snop  }
0x6e: {  	[hbm4b:s5+s3] =	stream.indirect_vreg.scatter [tilespmem:s30], [sflag:$0x1], $0x80, v3, vm0, $0xb8;
	[tilespmem:$0xC100] =	vst v63  }
0x6f: {  	_ =	swait.ge [sflag:s31], $0xC000  }
0x70: {  	p0 =	sne.s32 s6, $0x1;
	[sflag:s31] =	ssyncset.done $0x0  }
.Ltmp0:
0x71: {  	s10 =	rddreg [dreg:$0x4];
	[sflag:s31] =	ssyncadd.s32 $0xFFFF4000;
	(pc) =	sbr.rel @p0 .LBB2_1-.Ltmp0, $4  }
0x72: {  	[hbm4b:s10+s0] =	stream.indirect.scatter [tilespmem:s9], [sflag:$0x1], $0x1, s3, s0, $0xb8;
	[tilespmem:$0xC100] =	vst v63  }
0x73: {  	_ =	swait.ge [sflag:s31], $0x40  }
0x74: {  	[sflag:s31] =	ssyncset.done $0x0  }
0x75: {  	s6 =	sadd.s32 $0xFFFFFFFF, s6;
	[sflag:s31] =	ssyncadd.s32 $0xFFFFFFC0  }
0x76: {  	_ =	sfence.sel $0x180000  }
0x77: {  	[bflag:$0x0] =	sbarrier.arrive $0xFFFF  }
0x78: {  	_ =	strace $0x90000047  }
0x79: {  	s0 =	stileid.u32;
	[bflag:$0x2] =	sbarrier.arrive $0xFFFF  }
0x7a: {  	p0 =	sne.s32 s0, $0x0;
	s0 =	rddreg [dreg:$0x3]  }
0x7b: {  	s0 =	sadd.s32 @!p0 $0x100000, s0  }
0x7c: {  	[sflag:s0] =	ssyncadd.tile.s32 @!p0 $0x1;
	_ =	shalt  }
.Lfunc_end2:
_tile_overlayer_lowered:
.L_overlay_start_2:
0x7d: {  	(tag) =	ssettag $0x2  }
0x7e: {  	s0 =	rddreg [dreg:$0x0];
	s2 =	stileid.u32  }
0x7f: {  	s1 =	rddreg [dreg:$0x1];
	p0 =	sne.s32 s2, $0x0  }
0x80: {  	s3 =	rddreg [dreg:$0x2];
	[bflag:$0x3] =	sbarrier.arrive $0xFFFF;
	s2 =	simm.s32 @!p0 $0x1C02  }
0x81: {  	[timem:s3], [sflag:s2] =	dma.local @!p0 [hbm:s0], s1  }
0x82: {  	s0 =	simm.s32 @!p0 $0x2  }
0x83: {  	_ =	swait.ge @!p0 [sflag:s0], s1  }
0x84: {  	s1 =	ssub.s32 @!p0 $0x0, s1;
	[sflag:s0] =	ssyncset.done @!p0 $0x0  }
0x85: {  	[sflag:s0] =	ssyncadd.s32 @!p0 s1  }
0x86: {  	[bflag:$0x3] =	sbarrier.arrive $0xFFFF  }
0x87: {  	_ =	shalt  }

// kernel: kernel.9.cloned.1.call-start
scs
__scs_entry_jumppad:
0x0: {  	(pc) =	sbr.rel $0x88, $3  }
0x1: {  	(tag) =	ssettag $0x0;
	lr =	simm.s32 $0x1  }
0x2: {  	[smem:$0x3F9D] =	sst lr;
	_ =	strace $0xD0000000  }
0x3: {  	_ = 	snop  }
0x4: {  	_ = 	snop  }
0x5: {  	_ = 	snop  }
0x6: {  	_ = 	snop  }
0x7: {  	_ = 	snop  }
__scs_overlays_trampoline_lowered:
0x8: {  	[smem:$0x3FAC] =	sst s0  }
0x9: {  	[smem:$0x3FAD] =	sst s1  }
0xa: {  	[smem:$0x3FAE] =	sst s2  }
0xb: {  	[smem:$0x3FAF] =	sst s3  }
0xc: {  	[smem:$0x3FB0] =	sst s4  }
0xd: {  	[smem:$0x3FB1] =	sst s5  }
0xe: {  	[smem:$0x3FB2] =	sst s6  }
0xf: {  	[smem:$0x3FB3] =	sst s7  }
0x10: {  	[smem:$0x3FB4] =	sst s8  }
0x11: {  	[smem:$0x3FB5] =	sst s9;
	s0 =	simm.s32 @!p0 $0x0  }
0x12: {  	s1 =	sld [smem:$0x3F9B];
	s0 =	simm.s32 @p0 $0x1  }
0x13: {  	[smem:$0x3FB6] =	sst s0;
	s0 =	simm.s32 @!p1 $0x0  }
0x14: {  	s2 =	sld [smem:$0x3F9A];
	s0 =	simm.s32 @p1 $0x1  }
0x15: {  	[smem:$0x3FB7] =	sst s0;
	s0 =	simm.s32 @!p2 $0x0  }
0x16: {  	s3 =	sld [smem:$0x3FDB];
	s0 =	simm.s32 @p2 $0x1  }
0x17: {  	s4 =	simm.s32 $0x1BF5;
	[smem:$0x3FB9] =	sst s0  }
0x18: {  	s0 =	sld [smem:$0x3F9C];
	_ =	swait.ge [sflag:s4], $0x0  }
0x19: {  	s7 =	sld [smem:$0x3F9D]  }
0x1a: {  	s8 =	sadd.s32 $0xFFFFE003, lr  }
0x1b: {  	s9 =	sadd.s32 $0xFFFFFEF7, lr;
	s5 =	simm.s32 $0xFFFFFFFF;
	p2 =	slt.u32 s8, $0xFFFFF086  }
0x1c: {  	p1 =	slt.u32 s9, $0xF7A;
	s5 =	simm.s32 @!p2 $0x0  }
0x1d: {  	s5 =	simm.s32 @p1 $0x1;
	p0 =	seq.s32 s7, s2  }
0x1e: {  	s7 =	smul.u32 @!p0 $0xF7A, s2;
	p2 =	seq.s32 @!p0 s5, $0x0  }
0x1f: {  	s9 =	smul.u32 $0xF7A, s1;
	s8 =	simm.s32 @!p0 $0x1BF5;
	p2 =	por !p2, p0  }
0x20: {  	[sflag:s8] =	ssyncset.s32 @!p0 $0xFFFFF086;
	s6 =	sadd.s32 @!p0 s3, s7;
	s7 =	simm.s32 @!p0 $0x108  }
0x21: {  	s3 =	sadd.s32 s3, s9;
	s6 =	sadd.s32 @!p0 $0x88, s6;
	s7 =	simm.s32 @p2 $0x1082  }
0x22: {  	[simem:s7], [sflag:s8] =	dma.local @!p0 [hbm:s6], $0xF7A  }
0x23: {  	s9 =	sor.u32 $0xD0000000, s2;
	s6 =	simm.s32 $0x108;
	_ =	swait.ge @!p0 [sflag:s8], $0x0  }
0x24: {  	s3 =	sadd.s32 $0x88, s3;
	s6 =	simm.s32 @!p1 $0x1082;
	[sflag:s4] =	ssyncset.s32 $0xFFFFF086  }
0x25: {  	[simem:s6], [sflag:s4] =	dma.local [hbm:s3], $0xF7A  }
0x26: {  	[smem:$0x3F9D] =	sst s1;
	(tag) =	ssettag s2;
	_ =	strace s9  }
0x27: {  	s1 =	sld [smem:$0x3FAD]  }
0x28: {  	s2 =	sld [smem:$0x3FAE]  }
0x29: {  	s4 =	sld [smem:$0x3FB0]  }
0x2a: {  	p0 =	seq.s32 s5, $0x0;
	s5 =	sld [smem:$0x3FB1]  }
0x2b: {  	s6 =	sld [smem:$0x3FB2]  }
0x2c: {  	s7 =	sld [smem:$0x3FB3]  }
0x2d: {  	s3 =	simm.s32 $0x108;
	s8 =	sld [smem:$0x3FB4]  }
0x2e: {  	s3 =	simm.s32 @!p0 $0x1082;
	s9 =	sld [smem:$0x3FB5]  }
0x2f: {  	lr =	sadd.s32 s0, s3;
	s0 =	sld [smem:$0x3FAC]  }
0x30: {  	s3 =	sld [smem:$0x3FAF]  }
0x31: {  	[smem:$0x3FB8] =	sst s10  }
0x32: {  	s10 =	sld [smem:$0x3FB6];
	_ =	sdelay $0x3  }
0x33: {  	p0 =	seq.s32 s10, $0x1;
	s10 =	sld [smem:$0x3FB8];
	_ =	sdelay $0x3  }
0x34: {  	[smem:$0x3FB8] =	sst s10  }
0x35: {  	s10 =	sld [smem:$0x3FB7];
	_ =	sdelay $0x3  }
0x36: {  	p1 =	seq.s32 s10, $0x1;
	s10 =	sld [smem:$0x3FB8];
	_ =	sdelay $0x3  }
0x37: {  	[smem:$0x3FB8] =	sst s10  }
0x38: {  	s10 =	sld [smem:$0x3FB9]  }
0x39: {  	_ = 	snop;
	(pc) =	sbr.ind lr, $3  }
0x3a: {  	_ = 	snop  }
0x3b: {  	_ = 	snop  }
0x3c: {  	p2 =	seq.s32 s10, $0x1;
	s10 =	sld [smem:$0x3FB8]  }
0x3d: {  	_ =	shalt  }
0x3e: {  	_ =	shalt  }
0x3f: {  	_ =	shalt  }
0x40: {  	_ =	shalt  }
0x41: {  	_ =	shalt  }
0x42: {  	_ =	shalt  }
0x43: {  	_ =	shalt  }
0x44: {  	_ =	shalt  }
0x45: {  	_ =	shalt  }
0x46: {  	_ =	shalt  }
0x47: {  	_ =	shalt  }
0x48: {  	_ =	shalt  }
0x49: {  	_ =	shalt  }
0x4a: {  	_ =	shalt  }
0x4b: {  	_ =	shalt  }
0x4c: {  	_ =	shalt  }
0x4d: {  	_ =	shalt  }
0x4e: {  	_ =	shalt  }
0x4f: {  	_ =	shalt  }
0x50: {  	_ =	shalt  }
0x51: {  	_ =	shalt  }
0x52: {  	_ =	shalt  }
0x53: {  	_ =	shalt  }
0x54: {  	_ =	shalt  }
0x55: {  	_ =	shalt  }
0x56: {  	_ =	shalt  }
0x57: {  	_ =	shalt  }
0x58: {  	_ =	shalt  }
0x59: {  	_ =	shalt  }
0x5a: {  	_ =	shalt  }
0x5b: {  	_ =	shalt  }
0x5c: {  	_ =	shalt  }
0x5d: {  	_ =	shalt  }
0x5e: {  	_ =	shalt  }
0x5f: {  	_ =	shalt  }
0x60: {  	_ =	shalt  }
0x61: {  	_ =	shalt  }
0x62: {  	_ =	shalt  }
0x63: {  	_ =	shalt  }
0x64: {  	_ =	shalt  }
0x65: {  	_ =	shalt  }
0x66: {  	_ =	shalt  }
0x67: {  	_ =	shalt  }
0x68: {  	_ =	shalt  }
0x69: {  	_ =	shalt  }
0x6a: {  	_ =	shalt  }
0x6b: {  	_ =	shalt  }
0x6c: {  	_ =	shalt  }
0x6d: {  	_ =	shalt  }
0x6e: {  	_ =	shalt  }
0x6f: {  	_ =	shalt  }
0x70: {  	_ =	shalt  }
0x71: {  	_ =	shalt  }
0x72: {  	_ =	shalt  }
0x73: {  	_ =	shalt  }
0x74: {  	_ =	shalt  }
0x75: {  	_ =	shalt  }
0x76: {  	_ =	shalt  }
0x77: {  	_ =	shalt  }
0x78: {  	_ =	shalt  }
0x79: {  	_ =	shalt  }
0x7a: {  	_ =	shalt  }
0x7b: {  	_ =	shalt  }
0x7c: {  	_ =	shalt  }
0x7d: {  	_ =	shalt  }
0x7e: {  	_ =	shalt  }
0x7f: {  	_ =	shalt  }
0x80: {  	_ =	shalt  }
0x81: {  	_ =	shalt  }
0x82: {  	_ =	shalt  }
0x83: {  	_ =	shalt  }
0x84: {  	_ =	shalt  }
0x85: {  	_ =	shalt  }
0x86: {  	_ =	shalt  }
0x87: {  	_ =	shalt  }
.Lfunc_end0:
.L_simem_size_0:
called_computation.1_lowered:
.L_overlay_start_0:
0x88: {  	s2 =	sld [smem:$0x3FD9]  }
0x89: {  	s3 =	sld [smem:$0x3FFE];
	_ =	sdelay $0x1  }
0x8a: {  	s1 =	srdreg.scid  }
0x8b: {  	s0 =	sand.u32 $0x1, s1  }
0x8c: {  	s17 =	sshll.u32 s0, $0xA;
	s2 =	sadd.s32 s3, s2  }
0x8d: {  	s2 =	sadd.s32 s2, s17  }
0x8e: {  	[smem:$0x3FC4] =	sst s2  }
0x8f: {  	_ = 	snop  }
0x90: {  	s2 =	sld [smem:$0x3FD0];
	(tm) =	ssettm $0x1  }
0x91: {  	s18 =	sld [smem:$0x3FFB];
	_ =	sdelay $0x3  }
0x92: {  	_ =	strace s18  }
0x93: {  	s3 =	sld [smem:$0x3FFC];
	_ =	sdelay $0x3  }
0x94: {  	_ =	strace s3  }
0x95: {  	s3 =	sld [smem:$0x3FFD];
	_ =	sdelay $0x3  }
0x96: {  	_ =	strace s3  }
0x97: {  	_ =	strace $0x8FFFFFFF  }
0x98: {  	s19 =	sld [smem:$0x3FDB];
	_ =	sdelay $0x1  }
0x99: {  	s4 =	simm.s32 $_scs_section_size  }
0x9a: {  	s5 =	simm.s32 $_size__tile_overlayer_lowered;
	s6 =	simm.s32 $_tile_overlayer_lowered  }
0x9b: {  	s22 =	simm.s32 $0x1BFF;
	s21 =	sshll.u32 s6, $0x1;
	s3 =	sadd.s32 s4, s19  }
0x9c: {  	s7 =	simm.s32 $0x0;
	s20 =	sshll.u32 s5, $0x1;
	s5 =	sadd.s32 s21, s3  }
0x9d: {  	[timem:s7], [sflag:s22] =	dma.local [hbm:s5], s20  }
0x9e: {  	_ =	swait.ge [sflag:s22], s20  }
0x9f: {  	s4 =	ssub.s32 $0x0, s20;
	[sflag:s22] =	ssyncset.done $0x0  }
0xa0: {  	[sflag:s22] =	ssyncadd.s32 s4;
	_ =	sdelay $0x1  }
0xa1: {  	s23 =	simm.s32 $0x1B8B  }
0xa2: {  	_ =	swait.ge [sflag:s23], $0x1  }
0xa3: {  	[sflag:s23] =	ssyncset.done $0x0  }
0xa4: {  	s25 =	simm.s32 $0x1B8E;
	s24 =	sld [smem:$0x3FFE];
	[sflag:s23] =	ssyncadd.s32 $0xFFFFFFFF  }
0xa5: {  	s26 =	simm.s32 $execute0_lowered;
	[smem:$0x3FD2] =	sst s25  }
0xa6: {  	s5 =	sshll.u32 s26, $0x1;
	_ =	strace $0x80000049;
	[dreg:$0x1] =	wrdreg $0xFFFFFFFF  }
0xa7: {  	s28 =	simm.s32 $_size_execute0_lowered;
	s3 =	sadd.s32 s3, s5;
	[dreg:$0x0] =	wrdreg $0x0  }
0xa8: {  	s5 =	sshll.u32 s28, $0x1;
	[dreg:$0x2] =	wrdreg s3  }
0xa9: {  	[dreg:$0x3] =	wrdreg s5  }
0xaa: {  	[dreg:$0x4] =	wrdreg $0xC0  }
0xab: {  	_ =	task [dreg:s7], $0x5FFFF  }
0xac: {  	[dreg:$0x1] =	wrdreg $0xFFFFFFFF  }
0xad: {  	[dreg:$0x0] =	wrdreg $0x60  }
0xae: {  	[dreg:$0x2] =	wrdreg s24  }
0xaf: {  	[dreg:$0x3] =	wrdreg s2  }
0xb0: {  	[dreg:$0x4] =	wrdreg $0x9  }
0xb1: {  	_ =	task.clear_ibuf [dreg:s7], $0x5FFFF;
	_ =	strace $0x90000049  }
0xb2: {  	s29 =	simm.s32 $0x9;
	_ =	strace $0x8000004B  }
0xb3: {  	_ =	swait.ge [sflag:s29], $0x1  }
0xb4: {  	[sflag:s29] =	ssyncadd.s32 $0xFFFFFFFF  }
0xb5: {  	_ =	strace $0x9000004B  }
0xb6: {  	_ =	sfence  }
0xb7: {  	s30 =	sld [smem:$0x0];
	_ =	sdelay $0x2  }
0xb8: {  	s31 =	sshll.u32 s1, $0xD;
	s1 =	sshrl.u32 s1, $0x2  }
0xb9: {  	s3 =	sand.u32 $0x4000, s31;
	s1 =	sadd.s32 s1, s30  }
0xba: {  	s0 =	sor.u32 s3, s0;
	s1 =	sshll.u32 s1, $0x11  }
0xbb: {  	s0 =	sor.u32 s1, s0  }
0xbc: {  	s0 =	sadd.s32 $0x8F2B, s0  }
0xbd: {  	[sflag:s0] =	ssyncadd.remote.s32 $0x1  }
0xbe: {  	_ =	sfence.sel $0xFFFF  }
0xbf: {  	[dreg:$0x0] =	wrdreg $0xFFFFFFFF;
	(pc) =	sbr.abs _section_cstart, $3  }
0xc0: {  	[dreg:$0x1] =	wrdreg $0xFFFFFFFF  }
0xc1: {  	_ =	task.clear_ibuf [dreg:s7], $0x2FFFF;
	_ =	strace $0x9FFFFFFF  }
0xc2: {  	(tm) =	ssettm $0x7FFFFFFF  }
0xc3: {  	_ =	shalt  }
tec
execute0_lowered:
.L_overlay_start_1:
0x0: {  	(tag) =	ssettag $0x1  }
0x1: {  	s0 =	rddreg [dreg:$0x0]  }
0x2: {  	s5 =	rddreg [dreg:$0x1];
	s3 =	srdreg.scid  }
0x3: {  	s2 =	simm.s32 $0x0;
	s1 =	stileid.u32;
	s26 =	simm.s32 $0x880  }
0x4: {  	s10 =	simm.s32 $0x1880;
	s11 =	simm.s32 $0x2080;
	s12 =	simm.s32 $0x2880  }
0x5: {  	s13 =	simm.s32 $0x3080;
	s14 =	simm.s32 $0x3880;
	s15 =	simm.s32 $0x4080  }
0x6: {  	s16 =	simm.s32 $0x4880;
	s17 =	simm.s32 $0x5080;
	s18 =	simm.s32 $0x5880  }
0x7: {  	s19 =	simm.s32 $0x6080;
	s20 =	simm.s32 $0x6880;
	s21 =	simm.s32 $0x7080  }
0x8: {  	s22 =	simm.s32 $0x7880;
	s28 =	simm.s32 $0xA080;
	s29 =	simm.s32 $0xA880  }
0x9: {  	s30 =	simm.s32 $0xB080;
	s31 =	simm.s32 $0xB880;
	s3 =	sand.u32 $0x1, s3  }
0xa: {  	[smem:$0x7FF] =	sst s2;
	s4 =	sshll.u32 s1, $0x4;
	s6 =	sshll.u32 s3, $0x3  }
0xb: {  	_ =	strace $0x8000004A;
	s23 =	ssub.s32 $0x2, s3;
	s3 =	sadd.s32 $0xE00, s0  }
0xc: {  	[dreg:$0x5] =	wrdreg s26;
	s26 =	simm.s32 $0x9880;
	s4 =	sor.u32 s6, s4  }
0xd: {  	s8 =	sshrl.u32 s23, $0x1;
	s7 =	sadd.s32 s4, s0;
	s9 =	smul.u32 $0x300, s4  }
0xe: {  	s6 =	ssub.s32 s23, s8;
	s4 =	sadd.s32 $0xF00, s0;
	s8 =	simm.s32 $0x80  }
0xf: {  	s23 =	simm.s32 $0x8080;
	s24 =	sadd.s32 $0xC00, s7;
	s6 =	smax.u32 s6, $0x1  }
0x10: {  	v2 =	vlaneseq.u32;
	s7 =	simm.s32 $0x2;
	[dreg:$0x3] =	wrdreg s24;
	s25 =	sadd.s32 s5, s9  }
0x11: {  	vm0 =	vmmov $0xffff;
	v1 =	vshrl.u32 v2, $0x3;
	s5 =	sadd.s32 $0x1000, s0;
	s9 =	simm.s32 $0x1080;
	s24 =	simm.s32 $0x8880  }
0x12: {  	v0 =	vand.u32 $0x7, v2;
	v2 =	vor.u32 $0x8, v2;
	v1 =	vmul.u32 $0x8, v1;
	s0 =	simm.s32 $0x1;
	[dreg:$0x4] =	wrdreg s25;
	s25 =	simm.s32 $0x9080  }
.LBB2_1:
0x13: {  	s1 =	rddreg [dreg:$0x3]  }
0x14: {  	[tilespmem:s2], [sflag:$0x2] =	stream.linear.gather [hbm4b:s1+s2], $0x40, $0x38;
	[tilespmem:$0xC080] =	vst v63  }
0x15: {  	_ =	swait.ge [sflag:s7], $0x40  }
0x16: {  	[sflag:s7] =	ssyncset.done $0x0  }
0x17: {  	[sflag:s7] =	ssyncadd.s32 $0xFFFFFFC0  }
0x18: {  	v3 =	vld [tilespmem:$0x0];
	_ =	sdelay $0x4  }
0x19: {  	v4 =	vshrl.u32 v3, $0x3  }
0x1a: {  	v4 =	vmul.u32 $0x30, v4  }
0x1b: {  	v3 =	vand.u32 $0x7, v3  }
0x1c: {  	v3 =	vor.u32 v3, v4  }
0x1d: {  	v4 =	vperm.xlane v3, v0;
	_ =	sdelay $0x1  }
0x1e: {  	v4 =	vadd.s32 v1, v4;
	_ =	sdelay $0x3  }
0x1f: {  	v3 =	vperm.xlane v3, v2  }
0x20: {  	[tilespmem:s8], [sflag:$0x1] =	stream.indirect_vreg.gather [hbm4b:s3+s2], $0x80, v4, vm0, $0xb8;
	[tilespmem:$0xC080] =	vst v63  }
0x21: {  	s1 =	rddreg [dreg:$0x5];
	v3 =	vadd.s32 v1, v3  }
0x22: {  	[tilespmem:s1], [sflag:$0x1] =	stream.indirect_vreg.gather [hbm4b:s4+s2], $0x80, v4, vm0, $0xb8;
	[tilespmem:$0xC080] =	vst v63  }
0x23: {  	_ = 	snop  }
0x24: {  	[tilespmem:s9], [sflag:$0x1] =	stream.indirect_vreg.gather [hbm4b:s5+s2], $0x80, v4, vm0, $0xb8;
	[tilespmem:$0xC080] =	vst v63  }
0x25: {  	_ = 	snop  }
0x26: {  	[tilespmem:s10], [sflag:$0x1] =	stream.indirect_vreg.gather [hbm4b:s3+s2], $0x80, v3, vm0, $0xb8;
	[tilespmem:$0xC080] =	vst v63  }
0x27: {  	_ = 	snop  }
0x28: {  	[tilespmem:s11], [sflag:$0x1] =	stream.indirect_vreg.gather [hbm4b:s4+s2], $0x80, v3, vm0, $0xb8;
	[tilespmem:$0xC080] =	vst v63  }
0x29: {  	_ = 	snop  }
0x2a: {  	[tilespmem:s12], [sflag:$0x1] =	stream.indirect_vreg.gather [hbm4b:s5+s2], $0x80, v3, vm0, $0xb8;
	[tilespmem:$0xC080] =	vst v63  }
0x2b: {  	v3 =	vld [tilespmem:$0x10];
	_ =	sdelay $0x4  }
0x2c: {  	v61 =	vshrl.u32 v3, $0x3  }
0x2d: {  	v4 =	vmul.u32 $0x30, v61  }
0x2e: {  	v3 =	vand.u32 $0x7, v3  }
0x2f: {  	v3 =	vor.u32 v3, v4  }
0x30: {  	v4 =	vperm.xlane v3, v0;
	_ =	sdelay $0x1  }
0x31: {  	v4 =	vadd.s32 v1, v4;
	_ =	sdelay $0x3  }
0x32: {  	v3 =	vperm.xlane v3, v2  }
0x33: {  	[tilespmem:s13], [sflag:$0x1] =	stream.indirect_vreg.gather [hbm4b:s3+s2], $0x80, v4, vm0, $0xb8;
	[tilespmem:$0xC080] =	vst v63  }
0x34: {  	v3 =	vadd.s32 v1, v3  }
0x35: {  	[tilespmem:s14], [sflag:$0x1] =	stream.indirect_vreg.gather [hbm4b:s4+s2], $0x80, v4, vm0, $0xb8;
	[tilespmem:$0xC080] =	vst v63  }
0x36: {  	_ = 	snop  }
0x37: {  	[tilespmem:s15], [sflag:$0x1] =	stream.indirect_vreg.gather [hbm4b:s5+s2], $0x80, v4, vm0, $0xb8;
	[tilespmem:$0xC080] =	vst v63  }
0x38: {  	_ = 	snop  }
0x39: {  	[tilespmem:s16], [sflag:$0x1] =	stream.indirect_vreg.gather [hbm4b:s3+s2], $0x80, v3, vm0, $0xb8;
	[tilespmem:$0xC080] =	vst v63  }
0x3a: {  	_ = 	snop  }
0x3b: {  	[tilespmem:s17], [sflag:$0x1] =	stream.indirect_vreg.gather [hbm4b:s4+s2], $0x80, v3, vm0, $0xb8;
	[tilespmem:$0xC080] =	vst v63  }
0x3c: {  	_ = 	snop  }
0x3d: {  	[tilespmem:s18], [sflag:$0x1] =	stream.indirect_vreg.gather [hbm4b:s5+s2], $0x80, v3, vm0, $0xb8;
	[tilespmem:$0xC080] =	vst v63  }
0x3e: {  	v3 =	vld [tilespmem:$0x20];
	_ =	sdelay $0x4  }
0x3f: {  	v62 =	vshrl.u32 v3, $0x3  }
0x40: {  	v4 =	vmul.u32 $0x30, v62  }
0x41: {  	v3 =	vand.u32 $0x7, v3  }
0x42: {  	v3 =	vor.u32 v3, v4  }
0x43: {  	v4 =	vperm.xlane v3, v0;
	_ =	sdelay $0x1  }
0x44: {  	v4 =	vadd.s32 v1, v4;
	_ =	sdelay $0x3  }
0x45: {  	v3 =	vperm.xlane v3, v2  }
0x46: {  	[tilespmem:s19], [sflag:$0x1] =	stream.indirect_vreg.gather [hbm4b:s3+s2], $0x80, v4, vm0, $0xb8;
	[tilespmem:$0xC080] =	vst v63  }
0x47: {  	v3 =	vadd.s32 v1, v3  }
0x48: {  	[tilespmem:s20], [sflag:$0x1] =	stream.indirect_vreg.gather [hbm4b:s4+s2], $0x80, v4, vm0, $0xb8;
	[tilespmem:$0xC080] =	vst v63  }
0x49: {  	_ = 	snop  }
0x4a: {  	[tilespmem:s21], [sflag:$0x1] =	stream.indirect_vreg.gather [hbm4b:s5+s2], $0x80, v4, vm0, $0xb8;
	[tilespmem:$0xC080] =	vst v63  }
0x4b: {  	_ = 	snop  }
0x4c: {  	[tilespmem:s22], [sflag:$0x1] =	stream.indirect_vreg.gather [hbm4b:s3+s2], $0x80, v3, vm0, $0xb8;
	[tilespmem:$0xC080] =	vst v63  }
0x4d: {  	_ = 	snop  }
0x4e: {  	[tilespmem:s23], [sflag:$0x1] =	stream.indirect_vreg.gather [hbm4b:s4+s2], $0x80, v3, vm0, $0xb8;
	[tilespmem:$0xC080] =	vst v63  }
0x4f: {  	_ = 	snop  }
0x50: {  	[tilespmem:s24], [sflag:$0x1] =	stream.indirect_vreg.gather [hbm4b:s5+s2], $0x80, v3, vm0, $0xb8;
	[tilespmem:$0xC080] =	vst v63  }
0x51: {  	v3 =	vld [tilespmem:$0x30];
	_ =	sdelay $0x4  }
0x52: {  	v63 =	vshrl.u32 v3, $0x3  }
0x53: {  	v4 =	vmul.u32 $0x30, v63  }
0x54: {  	v3 =	vand.u32 $0x7, v3  }
0x55: {  	v3 =	vor.u32 v3, v4  }
0x56: {  	v4 =	vperm.xlane v3, v0;
	_ =	sdelay $0x1  }
0x57: {  	v4 =	vadd.s32 v1, v4;
	_ =	sdelay $0x3  }
0x58: {  	v3 =	vperm.xlane v3, v2  }
0x59: {  	[tilespmem:s25], [sflag:$0x1] =	stream.indirect_vreg.gather [hbm4b:s3+s2], $0x80, v4, vm0, $0xb8;
	[tilespmem:$0xC080] =	vst v63  }
0x5a: {  	v3 =	vadd.s32 v1, v3  }
0x5b: {  	[tilespmem:s26], [sflag:$0x1] =	stream.indirect_vreg.gather [hbm4b:s4+s2], $0x80, v4, vm0, $0xb8;
	[tilespmem:$0xC080] =	vst v63  }
0x5c: {  	_ = 	snop  }
0x5d: {  	[tilespmem:s28], [sflag:$0x1] =	stream.indirect_vreg.gather [hbm4b:s5+s2], $0x80, v4, vm0, $0xb8;
	[tilespmem:$0xC080] =	vst v63  }
0x5e: {  	_ = 	snop  }
0x5f: {  	[tilespmem:s29], [sflag:$0x1] =	stream.indirect_vreg.gather [hbm4b:s3+s2], $0x80, v3, vm0, $0xb8;
	[tilespmem:$0xC080] =	vst v63  }
0x60: {  	_ = 	snop  }
0x61: {  	[tilespmem:s30], [sflag:$0x1] =	stream.indirect_vreg.gather [hbm4b:s4+s2], $0x80, v3, vm0, $0xb8;
	[tilespmem:$0xC080] =	vst v63  }
0x62: {  	_ = 	snop  }
0x63: {  	[tilespmem:s31], [sflag:$0x1] =	stream.indirect_vreg.gather [hbm4b:s5+s2], $0x80, v3, vm0, $0xb8;
	[tilespmem:$0xC080] =	vst v63  }
0x64: {  	_ =	swait.ge [sflag:s0], $0xC000  }
0x65: {  	p0 =	sne.s32 s6, $0x1;
	[sflag:s0] =	ssyncset.done $0x0  }
.Ltmp0:
0x66: {  	s1 =	rddreg [dreg:$0x4];
	[sflag:s0] =	ssyncadd.s32 $0xFFFF4000;
	(pc) =	sbr.rel @p0 .LBB2_1-.Ltmp0, $4  }
0x67: {  	[hbm4b:s1+s2] =	stream.linear.scatter [tilespmem:s8], [sflag:$0x2], $0xC000, $0x38;
	[tilespmem:$0xC080] =	vst v63  }
0x68: {  	_ =	swait.ge [sflag:s7], $0xC000  }
0x69: {  	[sflag:s7] =	ssyncset.done $0x0  }
0x6a: {  	s6 =	sadd.s32 $0xFFFFFFFF, s6;
	[sflag:s7] =	ssyncadd.s32 $0xFFFF4000  }
0x6b: {  	_ =	sfence.sel $0x180000  }
0x6c: {  	[bflag:$0x0] =	sbarrier.arrive $0xFFFF  }
0x6d: {  	_ =	strace $0x9000004A  }
0x6e: {  	s0 =	stileid.u32;
	[bflag:$0x2] =	sbarrier.arrive $0xFFFF  }
0x6f: {  	p0 =	sne.s32 s0, $0x0;
	s0 =	rddreg [dreg:$0x2]  }
0x70: {  	s0 =	sadd.s32 @!p0 $0x100000, s0  }
0x71: {  	[sflag:s0] =	ssyncadd.tile.s32 @!p0 $0x1;
	_ =	shalt  }
.Lfunc_end2:
_tile_overlayer_lowered:
.L_overlay_start_2:
0x72: {  	(tag) =	ssettag $0x2  }
0x73: {  	s0 =	rddreg [dreg:$0x0];
	s2 =	stileid.u32  }
0x74: {  	s1 =	rddreg [dreg:$0x1];
	p0 =	sne.s32 s2, $0x0  }
0x75: {  	s3 =	rddreg [dreg:$0x2];
	[bflag:$0x3] =	sbarrier.arrive $0xFFFF;
	s2 =	simm.s32 @!p0 $0x1C02  }
0x76: {  	[timem:s3], [sflag:s2] =	dma.local @!p0 [hbm:s0], s1  }
0x77: {  	s0 =	simm.s32 @!p0 $0x2  }
0x78: {  	_ =	swait.ge @!p0 [sflag:s0], s1  }
0x79: {  	s1 =	ssub.s32 @!p0 $0x0, s1;
	[sflag:s0] =	ssyncset.done @!p0 $0x0  }
0x7a: {  	[sflag:s0] =	ssyncadd.s32 @!p0 s1  }
0x7b: {  	[bflag:$0x3] =	sbarrier.arrive $0xFFFF  }
0x7c: {  	_ =	shalt  }

</sc_bundles>
